<compile_context>
chip_gen: v7x
topology: tpu7x:2x2x1
jax: 0.10.2.dev20260603
libtpu: 0.0.44.dev20260713+nightly
codegen_flags: <defaults>
</compile_context>

<pallas_src>
import functools

import jax
import jax.numpy as jnp
from jax import lax
from jax.experimental import pallas as pl
from jax.experimental.pallas import tpu as pltpu
from jax.experimental.pallas import tpu_sc as plsc

N_CLS = 1000
N_CTX = 4
SEQ = 77
DIM = 512
SUF = SEQ - 1 - N_CTX
NC, NS = 2, 16
NW = NC * NS
BPW = 32
OFFS = (0, 16, 32, 48, SUF - 16)


def _sc_assemble(prefix2, suffix2, ctx2, label_p):
    mesh = plsc.VectorSubcoreMesh(
        core_axis_name="c", subcore_axis_name="s",
        num_cores=NC, num_subcores=NS)

    @functools.partial(
        pl.kernel,
        out_type=jax.ShapeDtypeStruct((N_CLS * SEQ, DIM), jnp.float32),
        mesh=mesh,
        compiler_params=pltpu.CompilerParams(
            use_tc_tiling_on_sc=False, needs_layout_passes=False),
        scratch_types=[
            pltpu.VMEM((BPW,), jnp.int32),
            pltpu.VMEM((BPW, 16), jnp.int32),
            pltpu.VMEM((SUF,), jnp.int32),
            pltpu.VMEM((SUF,), jnp.int32),
            pltpu.VMEM((SEQ, DIM), jnp.float32),
            pltpu.VMEM((SEQ, DIM), jnp.float32),
            pltpu.SemaphoreType.DMA,
            pltpu.SemaphoreType.DMA,
            pltpu.SemaphoreType.DMA,
        ],
    )
    def k(prefix_h, suffix_h, ctx_h, label_h, out_h,
          lbl_v, pidx, idx_a, idx_b, buf_a, buf_b, sem_a, sem_b, sem_p):
        wid = lax.axis_index("s") * NC + lax.axis_index("c")
        base = wid * BPW
        n = jnp.minimum(BPW, N_CLS - base)
        lane = lax.iota(jnp.int32, 16)

        pltpu.sync_copy(label_h.at[pl.ds(base, BPW)], lbl_v)
        pltpu.sync_copy(ctx_h, buf_a.at[pl.ds(1, N_CTX)])
        pltpu.sync_copy(ctx_h, buf_b.at[pl.ds(1, N_CTX)])
        for cc in range(BPW):
            pidx[cc, pl.ds(0, 16)] = plsc.load_gather(
                lbl_v, [jnp.full((16,), cc, jnp.int32)])

        def gather_copy(idx, buf, sem):
            return pltpu.make_async_copy(
                suffix_h.at[idx], buf.at[pl.ds(1 + N_CTX, SUF)], sem)

        def prefix_copy(cc, buf, sem):
            return pltpu.make_async_copy(
                prefix_h.at[pidx.at[cc, pl.ds(0, 1)]],
                buf.at[pl.ds(0, 1)], sem)

        def issue(cc, idx, buf, sem):
            lv = plsc.load_gather(lbl_v, [jnp.full((16,), cc, jnp.int32)])
            for off in OFFS:
                idx[pl.ds(off, 16)] = lv * SUF + (off + lane)
            gather_copy(idx, buf, sem).start()
            prefix_copy(cc, buf, sem).start()

        def write(cc, idx, buf, sem):
            gather_copy(idx, buf, sem).wait()
            prefix_copy(cc, buf, sem).wait()
            orow = (base + cc) * SEQ
            pltpu.sync_copy(buf, out_h.at[pl.ds(orow, SEQ)])

        def body(t, carry):
            c0 = 2 * t

            @pl.when(t == 0)
            def _():
                issue(c0, idx_a, buf_a, sem_a)

            issue(c0 + 1, idx_b, buf_b, sem_b)
            write(c0, idx_a, buf_a, sem_a)

            @pl.when(c0 + 2 < n)
            def _():
                issue(c0 + 2, idx_a, buf_a, sem_a)

            write(c0 + 1, idx_b, buf_b, sem_b)
            return carry

        lax.fori_loop(0, n // 2, body, jnp.int32(0))

    return k(prefix2, suffix2, ctx2, label_p)


def kernel(token_prefix, token_suffix, ctx_vectors, label):
    prefix2 = token_prefix.reshape(N_CLS, DIM)
    suffix2 = token_suffix.reshape(N_CLS * SUF, DIM)
    label_p = jnp.pad(label.astype(jnp.int32), (0, NW * BPW - N_CLS))
    out = _sc_assemble(prefix2, suffix2, ctx_vectors, label_p)
    return out.reshape(N_CLS, SEQ, DIM)

# --- scband reference (transcript-rebuilt; emitter-appended) ---
"""Pipeline reference for scband-prompt-learner-163208757791 (READ-ONLY COPY).

The authoritative reference and input builder live on the scoring server;
editing this copy changes nothing except your own understanding.
"""

import jax, jax.numpy as jnp
import numpy as np

N_CLS = 1000   # number of classes
N_CTX = 4      # context tokens in 'a photo of a'
SEQ = 77       # CLIP context length
DIM = 512      # ctx_dim (ln_final width for ViT-B CLIP)


def setup_inputs(seed: int = 0) -> dict:
    key = jax.random.key(seed)
    k1, k2, k3, k4 = jax.random.split(key, 4)
    # Frozen CLIP token embeddings for SOS prefix and class-name+EOS suffix
    token_prefix = jax.random.normal(k1, (N_CLS, 1, DIM), dtype=jnp.float32) * 0.02
    token_suffix = jax.random.normal(k2, (N_CLS, SEQ - 1 - N_CTX, DIM), dtype=jnp.float32) * 0.02
    # Learnable context vectors (initialized from tokenized ctx_init embedding)
    ctx_vectors = jax.random.normal(k3, (N_CTX, DIM), dtype=jnp.float32) * 0.02
    # label indexes into the per-class prefix/suffix tables; length must be N_CLS
    label = jax.random.randint(k4, (N_CLS,), 0, N_CLS, dtype=jnp.int32)
    return {
        "token_prefix": token_prefix,
        "token_suffix": token_suffix,
        "ctx_vectors": ctx_vectors,
        "label": label,
    }


def reference(token_prefix, token_suffix, ctx_vectors, label):
    # ctx = self.ctx_vectors.unsqueeze(0).expand(self.n_cls, -1, -1)
    n_cls = token_prefix.shape[0]
    ctx = jnp.broadcast_to(ctx_vectors[None, :, :], (n_cls, ctx_vectors.shape[0], ctx_vectors.shape[1]))
    # label is not None branch: gather per-class prefix/suffix rows
    prefix = jnp.take(token_prefix, label, axis=0)
    suffix = jnp.take(token_suffix, label, axis=0)
    prompts = jnp.concatenate([prefix, ctx, suffix], axis=1)
    return prompts

if __name__ == "__main__":
    import jax
    _d = setup_inputs()
    print(jax.jit(kernel)(*tuple(_d.values())))

</pallas_src>

<mosaic_0001>
#map = affine_map<(d0, d1) -> (0, 0)>
#map1 = affine_map<(d0, d1) -> (0)>
module attributes {stable_mosaic.version = 14 : i64} {
  func.func @k(%arg0: i32, %arg1: i32, %arg2: memref<1000x512xf32, #tpu.memory_space<hbm>>, %arg3: memref<72000x512xf32, #tpu.memory_space<hbm>>, %arg4: memref<4x512xf32, #tpu.memory_space<hbm>>, %arg5: memref<1024xi32, #tpu.memory_space<hbm>>, %arg6: memref<77000x512xf32, #tpu.memory_space<hbm>>, %arg7: memref<32xi32, #tpu.memory_space<vmem>>, %arg8: memref<32x16xi32, #tpu.memory_space<vmem>>, %arg9: memref<72xi32, #tpu.memory_space<vmem>>, %arg10: memref<72xi32, #tpu.memory_space<vmem>>, %arg11: memref<77x512xf32, #tpu.memory_space<vmem>>, %arg12: memref<77x512xf32, #tpu.memory_space<vmem>>, %arg13: memref<!tpu.dma_semaphore, #tpu.memory_space<semaphore_mem>>, %arg14: memref<!tpu.dma_semaphore, #tpu.memory_space<semaphore_mem>>, %arg15: memref<!tpu.dma_semaphore, #tpu.memory_space<semaphore_mem>>) attributes {dimension_semantics = [#tpu.dimension_semantics<core_parallel>, #tpu.dimension_semantics<subcore_parallel>], iteration_bounds = array<i64: 2, 16>, scalar_prefetch = 0 : i64, scratch_operands = 9 : i64, tpu.core_type = #tpu.core_type<sc_vector_subcore>, window_params = [{transform_indices = #map}, {transform_indices = #map}, {transform_indices = #map}, {transform_indices = #map1}, {transform_indices = #map}]} {
    %mul3A = arith.constant 2 : i32
    %mul3A_0 = arith.muli %arg1, %mul3A : i32
    %add3A = arith.addi %mul3A_0, %arg0 : i32
    %mul3A_1 = arith.constant 32 : i32
    %mul3A_2 = arith.muli %add3A, %mul3A_1 : i32
    %sub3A = arith.constant 1000 : i32
    %sub3A_3 = arith.subi %sub3A, %mul3A_2 : i32
    %min3A = arith.constant 32 : i32
    %min3A_4 = arith.minsi %min3A, %sub3A_3 : i32
    %iota3A = tpu.iota {dimensions = array<i32: 0>} : vector<16xi32>
    "tpu.region"() ({
      %run_scoped3A = tpu.sem_alloc : memref<!tpu.dma_semaphore, #tpu.memory_space<semaphore_mem>>
      %dma_start3A = tpu.memref_slice %arg5[%mul3A_2] : memref<1024xi32, #tpu.memory_space<hbm>> -> memref<32xi32, #tpu.memory_space<hbm>>
      %dma_start3A_252 = tpu.memref_slice %arg5[%mul3A_2] : memref<1024xi32, #tpu.memory_space<hbm>> -> memref<32xi32, #tpu.memory_space<hbm>>
      tpu.enqueue_dma source(%dma_start3A_252 : memref<32xi32, #tpu.memory_space<hbm>>) target(%arg7 : memref<32xi32, #tpu.memory_space<vmem>>) target_semaphore(%run_scoped3A : memref<!tpu.dma_semaphore, #tpu.memory_space<semaphore_mem>>)
      %dma_wait3A = tpu.memref_slice %arg5[%mul3A_2] : memref<1024xi32, #tpu.memory_space<hbm>> -> memref<32xi32, #tpu.memory_space<hbm>>
      %dma_wait3A_253 = tpu.memref_slice %arg5[%mul3A_2] : memref<1024xi32, #tpu.memory_space<hbm>> -> memref<32xi32, #tpu.memory_space<hbm>>
      tpu.wait_dma2 semaphore(%run_scoped3A : memref<!tpu.dma_semaphore, #tpu.memory_space<semaphore_mem>>) src(%dma_wait3A_253 : memref<32xi32, #tpu.memory_space<hbm>>) dst(%arg7 : memref<32xi32, #tpu.memory_space<vmem>>)
      tpu.yield
    }) : () -> ()
    "tpu.region"() ({
      %run_scoped3A = tpu.sem_alloc : memref<!tpu.dma_semaphore, #tpu.memory_space<semaphore_mem>>
      %dma_start3A = arith.constant 1 : i32
      %dma_start3A_252 = arith.constant 0 : i32
      %dma_start3A_253 = tpu.memref_slice %arg11[%dma_start3A, %dma_start3A_252] : memref<77x512xf32, #tpu.memory_space<vmem>> -> memref<4x512xf32, #tpu.memory_space<vmem>>
      %dma_start3A_254 = arith.constant 1 : i32
      %dma_start3A_255 = arith.constant 0 : i32
      %dma_start3A_256 = tpu.memref_slice %arg11[%dma_start3A_254, %dma_start3A_255] : memref<77x512xf32, #tpu.memory_space<vmem>> -> memref<4x512xf32, #tpu.memory_space<vmem>>
      tpu.enqueue_dma source(%arg4 : memref<4x512xf32, #tpu.memory_space<hbm>>) target(%dma_start3A_256 : memref<4x512xf32, #tpu.memory_space<vmem>>) target_semaphore(%run_scoped3A : memref<!tpu.dma_semaphore, #tpu.memory_space<semaphore_mem>>)
      %dma_wait3A = arith.constant 1 : i32
      %dma_wait3A_257 = arith.constant 0 : i32
      %dma_wait3A_258 = tpu.memref_slice %arg11[%dma_wait3A, %dma_wait3A_257] : memref<77x512xf32, #tpu.memory_space<vmem>> -> memref<4x512xf32, #tpu.memory_space<vmem>>
      %dma_wait3A_259 = arith.constant 1 : i32
      %dma_wait3A_260 = arith.constant 0 : i32
      %dma_wait3A_261 = tpu.memref_slice %arg11[%dma_wait3A_259, %dma_wait3A_260] : memref<77x512xf32, #tpu.memory_space<vmem>> -> memref<4x512xf32, #tpu.memory_space<vmem>>
      tpu.wait_dma2 semaphore(%run_scoped3A : memref<!tpu.dma_semaphore, #tpu.memory_space<semaphore_mem>>) src(%arg4 : memref<4x512xf32, #tpu.memory_space<hbm>>) dst(%dma_wait3A_261 : memref<4x512xf32, #tpu.memory_space<vmem>>)
      tpu.yield
    }) : () -> ()
    "tpu.region"() ({
      %run_scoped3A = tpu.sem_alloc : memref<!tpu.dma_semaphore, #tpu.memory_space<semaphore_mem>>
      %dma_start3A = arith.constant 1 : i32
      %dma_start3A_252 = arith.constant 0 : i32
      %dma_start3A_253 = tpu.memref_slice %arg12[%dma_start3A, %dma_start3A_252] : memref<77x512xf32, #tpu.memory_space<vmem>> -> memref<4x512xf32, #tpu.memory_space<vmem>>
      %dma_start3A_254 = arith.constant 1 : i32
      %dma_start3A_255 = arith.constant 0 : i32
      %dma_start3A_256 = tpu.memref_slice %arg12[%dma_start3A_254, %dma_start3A_255] : memref<77x512xf32, #tpu.memory_space<vmem>> -> memref<4x512xf32, #tpu.memory_space<vmem>>
      tpu.enqueue_dma source(%arg4 : memref<4x512xf32, #tpu.memory_space<hbm>>) target(%dma_start3A_256 : memref<4x512xf32, #tpu.memory_space<vmem>>) target_semaphore(%run_scoped3A : memref<!tpu.dma_semaphore, #tpu.memory_space<semaphore_mem>>)
      %dma_wait3A = arith.constant 1 : i32
      %dma_wait3A_257 = arith.constant 0 : i32
      %dma_wait3A_258 = tpu.memref_slice %arg12[%dma_wait3A, %dma_wait3A_257] : memref<77x512xf32, #tpu.memory_space<vmem>> -> memref<4x512xf32, #tpu.memory_space<vmem>>
      %dma_wait3A_259 = arith.constant 1 : i32
      %dma_wait3A_260 = arith.constant 0 : i32
      %dma_wait3A_261 = tpu.memref_slice %arg12[%dma_wait3A_259, %dma_wait3A_260] : memref<77x512xf32, #tpu.memory_space<vmem>> -> memref<4x512xf32, #tpu.memory_space<vmem>>
      tpu.wait_dma2 semaphore(%run_scoped3A : memref<!tpu.dma_semaphore, #tpu.memory_space<semaphore_mem>>) src(%arg4 : memref<4x512xf32, #tpu.memory_space<hbm>>) dst(%dma_wait3A_261 : memref<4x512xf32, #tpu.memory_space<vmem>>)
      tpu.yield
    }) : () -> ()
    %broadcast_in_dim3A = arith.constant 0 : i32
    %broadcast_in_dim3A_5 = vector.broadcast %broadcast_in_dim3A : i32 to vector<16xi32>
    %gather3A = tpu.vector_load_idx %arg7[%broadcast_in_dim3A_5] : memref<32xi32, #tpu.memory_space<vmem>>[vector<16xi32>], vector<16xi32>,
    %swap3A = arith.constant 0 : i32
    %swap3A_6 = arith.index_cast %swap3A : i32 to index
    %swap3A_7 = arith.constant 0 : index
    %swap3A_8 = tpu.vector_load %arg8[%swap3A_6, %swap3A_7] {strides = array<i32>} : memref<32x16xi32, #tpu.memory_space<vmem>>, vector<16xi32>,
    tpu.vector_store %arg8[%swap3A_6, %swap3A_7], %gather3A {strides = array<i32>} : memref<32x16xi32, #tpu.memory_space<vmem>>, vector<16xi32>,
    %broadcast_in_dim3A_9 = arith.constant 1 : i32
    %broadcast_in_dim3A_10 = vector.broadcast %broadcast_in_dim3A_9 : i32 to vector<16xi32>
    %gather3A_11 = tpu.vector_load_idx %arg7[%broadcast_in_dim3A_10] : memref<32xi32, #tpu.memory_space<vmem>>[vector<16xi32>], vector<16xi32>,
    %swap3A_12 = arith.constant 1 : i32
    %swap3A_13 = arith.index_cast %swap3A_12 : i32 to index
    %swap3A_14 = arith.constant 0 : index
    %swap3A_15 = tpu.vector_load %arg8[%swap3A_13, %swap3A_14] {strides = array<i32>} : memref<32x16xi32, #tpu.memory_space<vmem>>, vector<16xi32>,
    tpu.vector_store %arg8[%swap3A_13, %swap3A_14], %gather3A_11 {strides = array<i32>} : memref<32x16xi32, #tpu.memory_space<vmem>>, vector<16xi32>,
    %broadcast_in_dim3A_16 = arith.constant 2 : i32
    %broadcast_in_dim3A_17 = vector.broadcast %broadcast_in_dim3A_16 : i32 to vector<16xi32>
    %gather3A_18 = tpu.vector_load_idx %arg7[%broadcast_in_dim3A_17] : memref<32xi32, #tpu.memory_space<vmem>>[vector<16xi32>], vector<16xi32>,
    %swap3A_19 = arith.constant 2 : i32
    %swap3A_20 = arith.index_cast %swap3A_19 : i32 to index
    %swap3A_21 = arith.constant 0 : index
    %swap3A_22 = tpu.vector_load %arg8[%swap3A_20, %swap3A_21] {strides = array<i32>} : memref<32x16xi32, #tpu.memory_space<vmem>>, vector<16xi32>,
    tpu.vector_store %arg8[%swap3A_20, %swap3A_21], %gather3A_18 {strides = array<i32>} : memref<32x16xi32, #tpu.memory_space<vmem>>, vector<16xi32>,
    %broadcast_in_dim3A_23 = arith.constant 3 : i32
    %broadcast_in_dim3A_24 = vector.broadcast %broadcast_in_dim3A_23 : i32 to vector<16xi32>
    %gather3A_25 = tpu.vector_load_idx %arg7[%broadcast_in_dim3A_24] : memref<32xi32, #tpu.memory_space<vmem>>[vector<16xi32>], vector<16xi32>,
    %swap3A_26 = arith.constant 3 : i32
    %swap3A_27 = arith.index_cast %swap3A_26 : i32 to index
    %swap3A_28 = arith.constant 0 : index
    %swap3A_29 = tpu.vector_load %arg8[%swap3A_27, %swap3A_28] {strides = array<i32>} : memref<32x16xi32, #tpu.memory_space<vmem>>, vector<16xi32>,
    tpu.vector_store %arg8[%swap3A_27, %swap3A_28], %gather3A_25 {strides = array<i32>} : memref<32x16xi32, #tpu.memory_space<vmem>>, vector<16xi32>,
    %broadcast_in_dim3A_30 = arith.constant 4 : i32
    %broadcast_in_dim3A_31 = vector.broadcast %broadcast_in_dim3A_30 : i32 to vector<16xi32>
    %gather3A_32 = tpu.vector_load_idx %arg7[%broadcast_in_dim3A_31] : memref<32xi32, #tpu.memory_space<vmem>>[vector<16xi32>], vector<16xi32>,
    %swap3A_33 = arith.constant 4 : i32
    %swap3A_34 = arith.index_cast %swap3A_33 : i32 to index
    %swap3A_35 = arith.constant 0 : index
    %swap3A_36 = tpu.vector_load %arg8[%swap3A_34, %swap3A_35] {strides = array<i32>} : memref<32x16xi32, #tpu.memory_space<vmem>>, vector<16xi32>,
    tpu.vector_store %arg8[%swap3A_34, %swap3A_35], %gather3A_32 {strides = array<i32>} : memref<32x16xi32, #tpu.memory_space<vmem>>, vector<16xi32>,
    %broadcast_in_dim3A_37 = arith.constant 5 : i32
    %broadcast_in_dim3A_38 = vector.broadcast %broadcast_in_dim3A_37 : i32 to vector<16xi32>
    %gather3A_39 = tpu.vector_load_idx %arg7[%broadcast_in_dim3A_38] : memref<32xi32, #tpu.memory_space<vmem>>[vector<16xi32>], vector<16xi32>,
    %swap3A_40 = arith.constant 5 : i32
    %swap3A_41 = arith.index_cast %swap3A_40 : i32 to index
    %swap3A_42 = arith.constant 0 : index
    %swap3A_43 = tpu.vector_load %arg8[%swap3A_41, %swap3A_42] {strides = array<i32>} : memref<32x16xi32, #tpu.memory_space<vmem>>, vector<16xi32>,
    tpu.vector_store %arg8[%swap3A_41, %swap3A_42], %gather3A_39 {strides = array<i32>} : memref<32x16xi32, #tpu.memory_space<vmem>>, vector<16xi32>,
    %broadcast_in_dim3A_44 = arith.constant 6 : i32
    %broadcast_in_dim3A_45 = vector.broadcast %broadcast_in_dim3A_44 : i32 to vector<16xi32>
    %gather3A_46 = tpu.vector_load_idx %arg7[%broadcast_in_dim3A_45] : memref<32xi32, #tpu.memory_space<vmem>>[vector<16xi32>], vector<16xi32>,
    %swap3A_47 = arith.constant 6 : i32
    %swap3A_48 = arith.index_cast %swap3A_47 : i32 to index
    %swap3A_49 = arith.constant 0 : index
    %swap3A_50 = tpu.vector_load %arg8[%swap3A_48, %swap3A_49] {strides = array<i32>} : memref<32x16xi32, #tpu.memory_space<vmem>>, vector<16xi32>,
    tpu.vector_store %arg8[%swap3A_48, %swap3A_49], %gather3A_46 {strides = array<i32>} : memref<32x16xi32, #tpu.memory_space<vmem>>, vector<16xi32>,
    %broadcast_in_dim3A_51 = arith.constant 7 : i32
    %broadcast_in_dim3A_52 = vector.broadcast %broadcast_in_dim3A_51 : i32 to vector<16xi32>
    %gather3A_53 = tpu.vector_load_idx %arg7[%broadcast_in_dim3A_52] : memref<32xi32, #tpu.memory_space<vmem>>[vector<16xi32>], vector<16xi32>,
    %swap3A_54 = arith.constant 7 : i32
    %swap3A_55 = arith.index_cast %swap3A_54 : i32 to index
    %swap3A_56 = arith.constant 0 : index
    %swap3A_57 = tpu.vector_load %arg8[%swap3A_55, %swap3A_56] {strides = array<i32>} : memref<32x16xi32, #tpu.memory_space<vmem>>, vector<16xi32>,
    tpu.vector_store %arg8[%swap3A_55, %swap3A_56], %gather3A_53 {strides = array<i32>} : memref<32x16xi32, #tpu.memory_space<vmem>>, vector<16xi32>,
    %broadcast_in_dim3A_58 = arith.constant 8 : i32
    %broadcast_in_dim3A_59 = vector.broadcast %broadcast_in_dim3A_58 : i32 to vector<16xi32>
    %gather3A_60 = tpu.vector_load_idx %arg7[%broadcast_in_dim3A_59] : memref<32xi32, #tpu.memory_space<vmem>>[vector<16xi32>], vector<16xi32>,
    %swap3A_61 = arith.constant 8 : i32
    %swap3A_62 = arith.index_cast %swap3A_61 : i32 to index
    %swap3A_63 = arith.constant 0 : index
    %swap3A_64 = tpu.vector_load %arg8[%swap3A_62, %swap3A_63] {strides = array<i32>} : memref<32x16xi32, #tpu.memory_space<vmem>>, vector<16xi32>,
    tpu.vector_store %arg8[%swap3A_62, %swap3A_63], %gather3A_60 {strides = array<i32>} : memref<32x16xi32, #tpu.memory_space<vmem>>, vector<16xi32>,
    %broadcast_in_dim3A_65 = arith.constant 9 : i32
    %broadcast_in_dim3A_66 = vector.broadcast %broadcast_in_dim3A_65 : i32 to vector<16xi32>
    %gather3A_67 = tpu.vector_load_idx %arg7[%broadcast_in_dim3A_66] : memref<32xi32, #tpu.memory_space<vmem>>[vector<16xi32>], vector<16xi32>,
    %swap3A_68 = arith.constant 9 : i32
    %swap3A_69 = arith.index_cast %swap3A_68 : i32 to index
    %swap3A_70 = arith.constant 0 : index
    %swap3A_71 = tpu.vector_load %arg8[%swap3A_69, %swap3A_70] {strides = array<i32>} : memref<32x16xi32, #tpu.memory_space<vmem>>, vector<16xi32>,
    tpu.vector_store %arg8[%swap3A_69, %swap3A_70], %gather3A_67 {strides = array<i32>} : memref<32x16xi32, #tpu.memory_space<vmem>>, vector<16xi32>,
    %broadcast_in_dim3A_72 = arith.constant 10 : i32
    %broadcast_in_dim3A_73 = vector.broadcast %broadcast_in_dim3A_72 : i32 to vector<16xi32>
    %gather3A_74 = tpu.vector_load_idx %arg7[%broadcast_in_dim3A_73] : memref<32xi32, #tpu.memory_space<vmem>>[vector<16xi32>], vector<16xi32>,
    %swap3A_75 = arith.constant 10 : i32
    %swap3A_76 = arith.index_cast %swap3A_75 : i32 to index
    %swap3A_77 = arith.constant 0 : index
    %swap3A_78 = tpu.vector_load %arg8[%swap3A_76, %swap3A_77] {strides = array<i32>} : memref<32x16xi32, #tpu.memory_space<vmem>>, vector<16xi32>,
    tpu.vector_store %arg8[%swap3A_76, %swap3A_77], %gather3A_74 {strides = array<i32>} : memref<32x16xi32, #tpu.memory_space<vmem>>, vector<16xi32>,
    %broadcast_in_dim3A_79 = arith.constant 11 : i32
    %broadcast_in_dim3A_80 = vector.broadcast %broadcast_in_dim3A_79 : i32 to vector<16xi32>
    %gather3A_81 = tpu.vector_load_idx %arg7[%broadcast_in_dim3A_80] : memref<32xi32, #tpu.memory_space<vmem>>[vector<16xi32>], vector<16xi32>,
    %swap3A_82 = arith.constant 11 : i32
    %swap3A_83 = arith.index_cast %swap3A_82 : i32 to index
    %swap3A_84 = arith.constant 0 : index
    %swap3A_85 = tpu.vector_load %arg8[%swap3A_83, %swap3A_84] {strides = array<i32>} : memref<32x16xi32, #tpu.memory_space<vmem>>, vector<16xi32>,
    tpu.vector_store %arg8[%swap3A_83, %swap3A_84], %gather3A_81 {strides = array<i32>} : memref<32x16xi32, #tpu.memory_space<vmem>>, vector<16xi32>,
    %broadcast_in_dim3A_86 = arith.constant 12 : i32
    %broadcast_in_dim3A_87 = vector.broadcast %broadcast_in_dim3A_86 : i32 to vector<16xi32>
    %gather3A_88 = tpu.vector_load_idx %arg7[%broadcast_in_dim3A_87] : memref<32xi32, #tpu.memory_space<vmem>>[vector<16xi32>], vector<16xi32>,
    %swap3A_89 = arith.constant 12 : i32
    %swap3A_90 = arith.index_cast %swap3A_89 : i32 to index
    %swap3A_91 = arith.constant 0 : index
    %swap3A_92 = tpu.vector_load %arg8[%swap3A_90, %swap3A_91] {strides = array<i32>} : memref<32x16xi32, #tpu.memory_space<vmem>>, vector<16xi32>,
    tpu.vector_store %arg8[%swap3A_90, %swap3A_91], %gather3A_88 {strides = array<i32>} : memref<32x16xi32, #tpu.memory_space<vmem>>, vector<16xi32>,
    %broadcast_in_dim3A_93 = arith.constant 13 : i32
    %broadcast_in_dim3A_94 = vector.broadcast %broadcast_in_dim3A_93 : i32 to vector<16xi32>
    %gather3A_95 = tpu.vector_load_idx %arg7[%broadcast_in_dim3A_94] : memref<32xi32, #tpu.memory_space<vmem>>[vector<16xi32>], vector<16xi32>,
    %swap3A_96 = arith.constant 13 : i32
    %swap3A_97 = arith.index_cast %swap3A_96 : i32 to index
    %swap3A_98 = arith.constant 0 : index
    %swap3A_99 = tpu.vector_load %arg8[%swap3A_97, %swap3A_98] {strides = array<i32>} : memref<32x16xi32, #tpu.memory_space<vmem>>, vector<16xi32>,
    tpu.vector_store %arg8[%swap3A_97, %swap3A_98], %gather3A_95 {strides = array<i32>} : memref<32x16xi32, #tpu.memory_space<vmem>>, vector<16xi32>,
    %broadcast_in_dim3A_100 = arith.constant 14 : i32
    %broadcast_in_dim3A_101 = vector.broadcast %broadcast_in_dim3A_100 : i32 to vector<16xi32>
    %gather3A_102 = tpu.vector_load_idx %arg7[%broadcast_in_dim3A_101] : memref<32xi32, #tpu.memory_space<vmem>>[vector<16xi32>], vector<16xi32>,
    %swap3A_103 = arith.constant 14 : i32
    %swap3A_104 = arith.index_cast %swap3A_103 : i32 to index
    %swap3A_105 = arith.constant 0 : index
    %swap3A_106 = tpu.vector_load %arg8[%swap3A_104, %swap3A_105] {strides = array<i32>} : memref<32x16xi32, #tpu.memory_space<vmem>>, vector<16xi32>,
    tpu.vector_store %arg8[%swap3A_104, %swap3A_105], %gather3A_102 {strides = array<i32>} : memref<32x16xi32, #tpu.memory_space<vmem>>, vector<16xi32>,
    %broadcast_in_dim3A_107 = arith.constant 15 : i32
    %broadcast_in_dim3A_108 = vector.broadcast %broadcast_in_dim3A_107 : i32 to vector<16xi32>
    %gather3A_109 = tpu.vector_load_idx %arg7[%broadcast_in_dim3A_108] : memref<32xi32, #tpu.memory_space<vmem>>[vector<16xi32>], vector<16xi32>,
    %swap3A_110 = arith.constant 15 : i32
    %swap3A_111 = arith.index_cast %swap3A_110 : i32 to index
    %swap3A_112 = arith.constant 0 : index
    %swap3A_113 = tpu.vector_load %arg8[%swap3A_111, %swap3A_112] {strides = array<i32>} : memref<32x16xi32, #tpu.memory_space<vmem>>, vector<16xi32>,
    tpu.vector_store %arg8[%swap3A_111, %swap3A_112], %gather3A_109 {strides = array<i32>} : memref<32x16xi32, #tpu.memory_space<vmem>>, vector<16xi32>,
    %broadcast_in_dim3A_114 = arith.constant 16 : i32
    %broadcast_in_dim3A_115 = vector.broadcast %broadcast_in_dim3A_114 : i32 to vector<16xi32>
    %gather3A_116 = tpu.vector_load_idx %arg7[%broadcast_in_dim3A_115] : memref<32xi32, #tpu.memory_space<vmem>>[vector<16xi32>], vector<16xi32>,
    %swap3A_117 = arith.constant 16 : i32
    %swap3A_118 = arith.index_cast %swap3A_117 : i32 to index
    %swap3A_119 = arith.constant 0 : index
    %swap3A_120 = tpu.vector_load %arg8[%swap3A_118, %swap3A_119] {strides = array<i32>} : memref<32x16xi32, #tpu.memory_space<vmem>>, vector<16xi32>,
    tpu.vector_store %arg8[%swap3A_118, %swap3A_119], %gather3A_116 {strides = array<i32>} : memref<32x16xi32, #tpu.memory_space<vmem>>, vector<16xi32>,
    %broadcast_in_dim3A_121 = arith.constant 17 : i32
    %broadcast_in_dim3A_122 = vector.broadcast %broadcast_in_dim3A_121 : i32 to vector<16xi32>
    %gather3A_123 = tpu.vector_load_idx %arg7[%broadcast_in_dim3A_122] : memref<32xi32, #tpu.memory_space<vmem>>[vector<16xi32>], vector<16xi32>,
    %swap3A_124 = arith.constant 17 : i32
    %swap3A_125 = arith.index_cast %swap3A_124 : i32 to index
    %swap3A_126 = arith.constant 0 : index
    %swap3A_127 = tpu.vector_load %arg8[%swap3A_125, %swap3A_126] {strides = array<i32>} : memref<32x16xi32, #tpu.memory_space<vmem>>, vector<16xi32>,
    tpu.vector_store %arg8[%swap3A_125, %swap3A_126], %gather3A_123 {strides = array<i32>} : memref<32x16xi32, #tpu.memory_space<vmem>>, vector<16xi32>,
    %broadcast_in_dim3A_128 = arith.constant 18 : i32
    %broadcast_in_dim3A_129 = vector.broadcast %broadcast_in_dim3A_128 : i32 to vector<16xi32>
    %gather3A_130 = tpu.vector_load_idx %arg7[%broadcast_in_dim3A_129] : memref<32xi32, #tpu.memory_space<vmem>>[vector<16xi32>], vector<16xi32>,
    %swap3A_131 = arith.constant 18 : i32
    %swap3A_132 = arith.index_cast %swap3A_131 : i32 to index
    %swap3A_133 = arith.constant 0 : index
    %swap3A_134 = tpu.vector_load %arg8[%swap3A_132, %swap3A_133] {strides = array<i32>} : memref<32x16xi32, #tpu.memory_space<vmem>>, vector<16xi32>,
    tpu.vector_store %arg8[%swap3A_132, %swap3A_133], %gather3A_130 {strides = array<i32>} : memref<32x16xi32, #tpu.memory_space<vmem>>, vector<16xi32>,
    %broadcast_in_dim3A_135 = arith.constant 19 : i32
    %broadcast_in_dim3A_136 = vector.broadcast %broadcast_in_dim3A_135 : i32 to vector<16xi32>
    %gather3A_137 = tpu.vector_load_idx %arg7[%broadcast_in_dim3A_136] : memref<32xi32, #tpu.memory_space<vmem>>[vector<16xi32>], vector<16xi32>,
    %swap3A_138 = arith.constant 19 : i32
    %swap3A_139 = arith.index_cast %swap3A_138 : i32 to index
    %swap3A_140 = arith.constant 0 : index
    %swap3A_141 = tpu.vector_load %arg8[%swap3A_139, %swap3A_140] {strides = array<i32>} : memref<32x16xi32, #tpu.memory_space<vmem>>, vector<16xi32>,
    tpu.vector_store %arg8[%swap3A_139, %swap3A_140], %gather3A_137 {strides = array<i32>} : memref<32x16xi32, #tpu.memory_space<vmem>>, vector<16xi32>,
    %broadcast_in_dim3A_142 = arith.constant 20 : i32
    %broadcast_in_dim3A_143 = vector.broadcast %broadcast_in_dim3A_142 : i32 to vector<16xi32>
    %gather3A_144 = tpu.vector_load_idx %arg7[%broadcast_in_dim3A_143] : memref<32xi32, #tpu.memory_space<vmem>>[vector<16xi32>], vector<16xi32>,
    %swap3A_145 = arith.constant 20 : i32
    %swap3A_146 = arith.index_cast %swap3A_145 : i32 to index
    %swap3A_147 = arith.constant 0 : index
    %swap3A_148 = tpu.vector_load %arg8[%swap3A_146, %swap3A_147] {strides = array<i32>} : memref<32x16xi32, #tpu.memory_space<vmem>>, vector<16xi32>,
    tpu.vector_store %arg8[%swap3A_146, %swap3A_147], %gather3A_144 {strides = array<i32>} : memref<32x16xi32, #tpu.memory_space<vmem>>, vector<16xi32>,
    %broadcast_in_dim3A_149 = arith.constant 21 : i32
    %broadcast_in_dim3A_150 = vector.broadcast %broadcast_in_dim3A_149 : i32 to vector<16xi32>
    %gather3A_151 = tpu.vector_load_idx %arg7[%broadcast_in_dim3A_150] : memref<32xi32, #tpu.memory_space<vmem>>[vector<16xi32>], vector<16xi32>,
    %swap3A_152 = arith.constant 21 : i32
    %swap3A_153 = arith.index_cast %swap3A_152 : i32 to index
    %swap3A_154 = arith.constant 0 : index
    %swap3A_155 = tpu.vector_load %arg8[%swap3A_153, %swap3A_154] {strides = array<i32>} : memref<32x16xi32, #tpu.memory_space<vmem>>, vector<16xi32>,
    tpu.vector_store %arg8[%swap3A_153, %swap3A_154], %gather3A_151 {strides = array<i32>} : memref<32x16xi32, #tpu.memory_space<vmem>>, vector<16xi32>,
    %broadcast_in_dim3A_156 = arith.constant 22 : i32
    %broadcast_in_dim3A_157 = vector.broadcast %broadcast_in_dim3A_156 : i32 to vector<16xi32>
    %gather3A_158 = tpu.vector_load_idx %arg7[%broadcast_in_dim3A_157] : memref<32xi32, #tpu.memory_space<vmem>>[vector<16xi32>], vector<16xi32>,
    %swap3A_159 = arith.constant 22 : i32
    %swap3A_160 = arith.index_cast %swap3A_159 : i32 to index
    %swap3A_161 = arith.constant 0 : index
    %swap3A_162 = tpu.vector_load %arg8[%swap3A_160, %swap3A_161] {strides = array<i32>} : memref<32x16xi32, #tpu.memory_space<vmem>>, vector<16xi32>,
    tpu.vector_store %arg8[%swap3A_160, %swap3A_161], %gather3A_158 {strides = array<i32>} : memref<32x16xi32, #tpu.memory_space<vmem>>, vector<16xi32>,
    %broadcast_in_dim3A_163 = arith.constant 23 : i32
    %broadcast_in_dim3A_164 = vector.broadcast %broadcast_in_dim3A_163 : i32 to vector<16xi32>
    %gather3A_165 = tpu.vector_load_idx %arg7[%broadcast_in_dim3A_164] : memref<32xi32, #tpu.memory_space<vmem>>[vector<16xi32>], vector<16xi32>,
    %swap3A_166 = arith.constant 23 : i32
    %swap3A_167 = arith.index_cast %swap3A_166 : i32 to index
    %swap3A_168 = arith.constant 0 : index
    %swap3A_169 = tpu.vector_load %arg8[%swap3A_167, %swap3A_168] {strides = array<i32>} : memref<32x16xi32, #tpu.memory_space<vmem>>, vector<16xi32>,
    tpu.vector_store %arg8[%swap3A_167, %swap3A_168], %gather3A_165 {strides = array<i32>} : memref<32x16xi32, #tpu.memory_space<vmem>>, vector<16xi32>,
    %broadcast_in_dim3A_170 = arith.constant 24 : i32
    %broadcast_in_dim3A_171 = vector.broadcast %broadcast_in_dim3A_170 : i32 to vector<16xi32>
    %gather3A_172 = tpu.vector_load_idx %arg7[%broadcast_in_dim3A_171] : memref<32xi32, #tpu.memory_space<vmem>>[vector<16xi32>], vector<16xi32>,
    %swap3A_173 = arith.constant 24 : i32
    %swap3A_174 = arith.index_cast %swap3A_173 : i32 to index
    %swap3A_175 = arith.constant 0 : index
    %swap3A_176 = tpu.vector_load %arg8[%swap3A_174, %swap3A_175] {strides = array<i32>} : memref<32x16xi32, #tpu.memory_space<vmem>>, vector<16xi32>,
    tpu.vector_store %arg8[%swap3A_174, %swap3A_175], %gather3A_172 {strides = array<i32>} : memref<32x16xi32, #tpu.memory_space<vmem>>, vector<16xi32>,
    %broadcast_in_dim3A_177 = arith.constant 25 : i32
    %broadcast_in_dim3A_178 = vector.broadcast %broadcast_in_dim3A_177 : i32 to vector<16xi32>
    %gather3A_179 = tpu.vector_load_idx %arg7[%broadcast_in_dim3A_178] : memref<32xi32, #tpu.memory_space<vmem>>[vector<16xi32>], vector<16xi32>,
    %swap3A_180 = arith.constant 25 : i32
    %swap3A_181 = arith.index_cast %swap3A_180 : i32 to index
    %swap3A_182 = arith.constant 0 : index
    %swap3A_183 = tpu.vector_load %arg8[%swap3A_181, %swap3A_182] {strides = array<i32>} : memref<32x16xi32, #tpu.memory_space<vmem>>, vector<16xi32>,
    tpu.vector_store %arg8[%swap3A_181, %swap3A_182], %gather3A_179 {strides = array<i32>} : memref<32x16xi32, #tpu.memory_space<vmem>>, vector<16xi32>,
    %broadcast_in_dim3A_184 = arith.constant 26 : i32
    %broadcast_in_dim3A_185 = vector.broadcast %broadcast_in_dim3A_184 : i32 to vector<16xi32>
    %gather3A_186 = tpu.vector_load_idx %arg7[%broadcast_in_dim3A_185] : memref<32xi32, #tpu.memory_space<vmem>>[vector<16xi32>], vector<16xi32>,
    %swap3A_187 = arith.constant 26 : i32
    %swap3A_188 = arith.index_cast %swap3A_187 : i32 to index
    %swap3A_189 = arith.constant 0 : index
    %swap3A_190 = tpu.vector_load %arg8[%swap3A_188, %swap3A_189] {strides = array<i32>} : memref<32x16xi32, #tpu.memory_space<vmem>>, vector<16xi32>,
    tpu.vector_store %arg8[%swap3A_188, %swap3A_189], %gather3A_186 {strides = array<i32>} : memref<32x16xi32, #tpu.memory_space<vmem>>, vector<16xi32>,
    %broadcast_in_dim3A_191 = arith.constant 27 : i32
    %broadcast_in_dim3A_192 = vector.broadcast %broadcast_in_dim3A_191 : i32 to vector<16xi32>
    %gather3A_193 = tpu.vector_load_idx %arg7[%broadcast_in_dim3A_192] : memref<32xi32, #tpu.memory_space<vmem>>[vector<16xi32>], vector<16xi32>,
    %swap3A_194 = arith.constant 27 : i32
    %swap3A_195 = arith.index_cast %swap3A_194 : i32 to index
    %swap3A_196 = arith.constant 0 : index
    %swap3A_197 = tpu.vector_load %arg8[%swap3A_195, %swap3A_196] {strides = array<i32>} : memref<32x16xi32, #tpu.memory_space<vmem>>, vector<16xi32>,
    tpu.vector_store %arg8[%swap3A_195, %swap3A_196], %gather3A_193 {strides = array<i32>} : memref<32x16xi32, #tpu.memory_space<vmem>>, vector<16xi32>,
    %broadcast_in_dim3A_198 = arith.constant 28 : i32
    %broadcast_in_dim3A_199 = vector.broadcast %broadcast_in_dim3A_198 : i32 to vector<16xi32>
    %gather3A_200 = tpu.vector_load_idx %arg7[%broadcast_in_dim3A_199] : memref<32xi32, #tpu.memory_space<vmem>>[vector<16xi32>], vector<16xi32>,
    %swap3A_201 = arith.constant 28 : i32
    %swap3A_202 = arith.index_cast %swap3A_201 : i32 to index
    %swap3A_203 = arith.constant 0 : index
    %swap3A_204 = tpu.vector_load %arg8[%swap3A_202, %swap3A_203] {strides = array<i32>} : memref<32x16xi32, #tpu.memory_space<vmem>>, vector<16xi32>,
    tpu.vector_store %arg8[%swap3A_202, %swap3A_203], %gather3A_200 {strides = array<i32>} : memref<32x16xi32, #tpu.memory_space<vmem>>, vector<16xi32>,
    %broadcast_in_dim3A_205 = arith.constant 29 : i32
    %broadcast_in_dim3A_206 = vector.broadcast %broadcast_in_dim3A_205 : i32 to vector<16xi32>
    %gather3A_207 = tpu.vector_load_idx %arg7[%broadcast_in_dim3A_206] : memref<32xi32, #tpu.memory_space<vmem>>[vector<16xi32>], vector<16xi32>,
    %swap3A_208 = arith.constant 29 : i32
    %swap3A_209 = arith.index_cast %swap3A_208 : i32 to index
    %swap3A_210 = arith.constant 0 : index
    %swap3A_211 = tpu.vector_load %arg8[%swap3A_209, %swap3A_210] {strides = array<i32>} : memref<32x16xi32, #tpu.memory_space<vmem>>, vector<16xi32>,
    tpu.vector_store %arg8[%swap3A_209, %swap3A_210], %gather3A_207 {strides = array<i32>} : memref<32x16xi32, #tpu.memory_space<vmem>>, vector<16xi32>,
    %broadcast_in_dim3A_212 = arith.constant 30 : i32
    %broadcast_in_dim3A_213 = vector.broadcast %broadcast_in_dim3A_212 : i32 to vector<16xi32>
    %gather3A_214 = tpu.vector_load_idx %arg7[%broadcast_in_dim3A_213] : memref<32xi32, #tpu.memory_space<vmem>>[vector<16xi32>], vector<16xi32>,
    %swap3A_215 = arith.constant 30 : i32
    %swap3A_216 = arith.index_cast %swap3A_215 : i32 to index
    %swap3A_217 = arith.constant 0 : index
    %swap3A_218 = tpu.vector_load %arg8[%swap3A_216, %swap3A_217] {strides = array<i32>} : memref<32x16xi32, #tpu.memory_space<vmem>>, vector<16xi32>,
    tpu.vector_store %arg8[%swap3A_216, %swap3A_217], %gather3A_214 {strides = array<i32>} : memref<32x16xi32, #tpu.memory_space<vmem>>, vector<16xi32>,
    %broadcast_in_dim3A_219 = arith.constant 31 : i32
    %broadcast_in_dim3A_220 = vector.broadcast %broadcast_in_dim3A_219 : i32 to vector<16xi32>
    %gather3A_221 = tpu.vector_load_idx %arg7[%broadcast_in_dim3A_220] : memref<32xi32, #tpu.memory_space<vmem>>[vector<16xi32>], vector<16xi32>,
    %swap3A_222 = arith.constant 31 : i32
    %swap3A_223 = arith.index_cast %swap3A_222 : i32 to index
    %swap3A_224 = arith.constant 0 : index
    %swap3A_225 = tpu.vector_load %arg8[%swap3A_223, %swap3A_224] {strides = array<i32>} : memref<32x16xi32, #tpu.memory_space<vmem>>, vector<16xi32>,
    tpu.vector_store %arg8[%swap3A_223, %swap3A_224], %gather3A_221 {strides = array<i32>} : memref<32x16xi32, #tpu.memory_space<vmem>>, vector<16xi32>,
    %jit3A = arith.constant 2 : i32
    %div3A = arith.divsi %min3A_4, %jit3A : i32
    %sign3A = arith.constant 0 : i32
    %sign3A_226 = arith.cmpi sgt, %min3A_4, %sign3A : i32
    %sign3A_227 = arith.extui %sign3A_226 : i1 to i32
    %sign3A_228 = arith.constant 0 : i32
    %sign3A_229 = arith.cmpi slt, %min3A_4, %sign3A_228 : i32
    %sign3A_230 = arith.extui %sign3A_229 : i1 to i32
    %sign3A_231 = arith.subi %sign3A_227, %sign3A_230 : i32
    %sign3A_232 = arith.constant 0 : i32
    %sign3A_233 = arith.cmpi sgt, %jit3A, %sign3A_232 : i32
    %sign3A_234 = arith.extui %sign3A_233 : i1 to i32
    %sign3A_235 = arith.constant 0 : i32
    %sign3A_236 = arith.cmpi slt, %jit3A, %sign3A_235 : i32
    %sign3A_237 = arith.extui %sign3A_236 : i1 to i32
    %sign3A_238 = arith.subi %sign3A_234, %sign3A_237 : i32
    %ne3A = arith.cmpi ne, %sign3A_231, %sign3A_238 : i32
    %rem3A = arith.remsi %min3A_4, %jit3A : i32
    %ne3A_239 = arith.constant 0 : i32
    %ne3A_240 = arith.cmpi ne, %rem3A, %ne3A_239 : i32
    %and3A = arith.andi %ne3A, %ne3A_240 : i1
    %sub3A_241 = arith.constant 1 : i32
    %sub3A_242 = arith.subi %div3A, %sub3A_241 : i32
    %select_n3A = arith.select %and3A, %sub3A_242, %div3A : i32
    %while3A = arith.constant 0 : i32
    %while3A_243 = arith.constant 0 : i32
    %while3A_244 = arith.subi %select_n3A, %while3A_243 : i32
    %while3A_245 = arith.addi %while3A_243, %while3A_244 : i32
    %while3A_246 = arith.constant 1 : i32
    %while3A_247 = arith.divsi %while3A_244, %while3A_246 : i32
    %while3A_248 = arith.muli %while3A_247, %while3A_246 : i32
    %while3A_249 = arith.addi %while3A_243, %while3A_248 : i32
    %while3A_250 = arith.constant 1 : i32
    scf.for %while3A_252 = %while3A_243 to %while3A_249 step %while3A_250  : i32 {
      %mul3A_253 = arith.constant 2 : i32
      %mul3A_254 = arith.muli %mul3A_253, %while3A_252 : i32
      %eq3A = arith.constant 0 : i32
      %eq3A_255 = arith.cmpi eq, %while3A_252, %eq3A : i32
      %convert_element_type3A = arith.extui %eq3A_255 : i1 to i32
      %cond3A = arith.constant 0 : i32
      %cond3A_256 = arith.cmpi ne, %convert_element_type3A, %cond3A : i32
      scf.if %cond3A_256 {
        %broadcast_in_dim3A_362 = vector.broadcast %mul3A_254 : i32 to vector<16xi32>
        %gather3A_363 = tpu.vector_load_idx %arg7[%broadcast_in_dim3A_362] : memref<32xi32, #tpu.memory_space<vmem>>[vector<16xi32>], vector<16xi32>,
        %mul3A_364 = arith.constant 72 : i32
        %mul3A_365 = vector.broadcast %mul3A_364 : i32 to vector<16xi32>
        %mul3A_366 = arith.muli %gather3A_363, %mul3A_365 : vector<16xi32>
        %add3A_367 = arith.constant 0 : i32
        %add3A_368 = vector.broadcast %add3A_367 : i32 to vector<16xi32>
        %add3A_369 = arith.addi %add3A_368, %iota3A : vector<16xi32>
        %add3A_370 = arith.addi %mul3A_366, %add3A_369 : vector<16xi32>
        %swap3A_371 = arith.constant 0 : index
        %swap3A_372 = tpu.vector_load %arg9[%swap3A_371] {strides = array<i32>} : memref<72xi32, #tpu.memory_space<vmem>>, vector<16xi32>,
        tpu.vector_store %arg9[%swap3A_371], %add3A_370 {strides = array<i32>} : memref<72xi32, #tpu.memory_space<vmem>>, vector<16xi32>,
        %mul3A_373 = arith.constant 72 : i32
        %mul3A_374 = vector.broadcast %mul3A_373 : i32 to vector<16xi32>
        %mul3A_375 = arith.muli %gather3A_363, %mul3A_374 : vector<16xi32>
        %add3A_376 = arith.constant 16 : i32
        %add3A_377 = vector.broadcast %add3A_376 : i32 to vector<16xi32>
        %add3A_378 = arith.addi %add3A_377, %iota3A : vector<16xi32>
        %add3A_379 = arith.addi %mul3A_375, %add3A_378 : vector<16xi32>
        %swap3A_380 = arith.constant 16 : index
        %swap3A_381 = tpu.vector_load %arg9[%swap3A_380] {strides = array<i32>} : memref<72xi32, #tpu.memory_space<vmem>>, vector<16xi32>,
        tpu.vector_store %arg9[%swap3A_380], %add3A_379 {strides = array<i32>} : memref<72xi32, #tpu.memory_space<vmem>>, vector<16xi32>,
        %mul3A_382 = arith.constant 72 : i32
        %mul3A_383 = vector.broadcast %mul3A_382 : i32 to vector<16xi32>
        %mul3A_384 = arith.muli %gather3A_363, %mul3A_383 : vector<16xi32>
        %add3A_385 = arith.constant 32 : i32
        %add3A_386 = vector.broadcast %add3A_385 : i32 to vector<16xi32>
        %add3A_387 = arith.addi %add3A_386, %iota3A : vector<16xi32>
        %add3A_388 = arith.addi %mul3A_384, %add3A_387 : vector<16xi32>
        %swap3A_389 = arith.constant 32 : index
        %swap3A_390 = tpu.vector_load %arg9[%swap3A_389] {strides = array<i32>} : memref<72xi32, #tpu.memory_space<vmem>>, vector<16xi32>,
        tpu.vector_store %arg9[%swap3A_389], %add3A_388 {strides = array<i32>} : memref<72xi32, #tpu.memory_space<vmem>>, vector<16xi32>,
        %mul3A_391 = arith.constant 72 : i32
        %mul3A_392 = vector.broadcast %mul3A_391 : i32 to vector<16xi32>
        %mul3A_393 = arith.muli %gather3A_363, %mul3A_392 : vector<16xi32>
        %add3A_394 = arith.constant 48 : i32
        %add3A_395 = vector.broadcast %add3A_394 : i32 to vector<16xi32>
        %add3A_396 = arith.addi %add3A_395, %iota3A : vector<16xi32>
        %add3A_397 = arith.addi %mul3A_393, %add3A_396 : vector<16xi32>
        %swap3A_398 = arith.constant 48 : index
        %swap3A_399 = tpu.vector_load %arg9[%swap3A_398] {strides = array<i32>} : memref<72xi32, #tpu.memory_space<vmem>>, vector<16xi32>,
        tpu.vector_store %arg9[%swap3A_398], %add3A_397 {strides = array<i32>} : memref<72xi32, #tpu.memory_space<vmem>>, vector<16xi32>,
        %mul3A_400 = arith.constant 72 : i32
        %mul3A_401 = vector.broadcast %mul3A_400 : i32 to vector<16xi32>
        %mul3A_402 = arith.muli %gather3A_363, %mul3A_401 : vector<16xi32>
        %add3A_403 = arith.constant 56 : i32
        %add3A_404 = vector.broadcast %add3A_403 : i32 to vector<16xi32>
        %add3A_405 = arith.addi %add3A_404, %iota3A : vector<16xi32>
        %add3A_406 = arith.addi %mul3A_402, %add3A_405 : vector<16xi32>
        %swap3A_407 = arith.constant 56 : index
        %swap3A_408 = tpu.vector_load %arg9[%swap3A_407] {strides = array<i32>} : memref<72xi32, #tpu.memory_space<vmem>>, vector<16xi32>,
        tpu.vector_store %arg9[%swap3A_407], %add3A_406 {strides = array<i32>} : memref<72xi32, #tpu.memory_space<vmem>>, vector<16xi32>,
        %dma_start3A_409 = arith.constant 5 : i32
        %dma_start3A_410 = arith.constant 0 : i32
        %dma_start3A_411 = tpu.memref_slice %arg11[%dma_start3A_409, %dma_start3A_410] : memref<77x512xf32, #tpu.memory_space<vmem>> -> memref<72x512xf32, #tpu.memory_space<vmem>>
        %dma_start3A_412 = arith.constant 0 : i32
        %dma_start3A_413 = arith.constant 0 : i32
        %dma_start3A_414 = tpu.memref_slice %arg3[%dma_start3A_412, %dma_start3A_413] : memref<72000x512xf32, #tpu.memory_space<hbm>> -> memref<72000x512xf32, #tpu.memory_space<hbm>>
        tpu.enqueue_indirect_dma source(%dma_start3A_414 : memref<72000x512xf32, #tpu.memory_space<hbm>>) target(%dma_start3A_411 : memref<72x512xf32, #tpu.memory_space<vmem>>) offsets(%arg9 : memref<72xi32, #tpu.memory_space<vmem>>) semaphore(%arg13 : memref<!tpu.dma_semaphore, #tpu.memory_space<semaphore_mem>>)
        %dma_start3A_415 = arith.constant 0 : i32
        %dma_start3A_416 = arith.constant 0 : i32
        %dma_start3A_417 = tpu.memref_slice %arg11[%dma_start3A_415, %dma_start3A_416] : memref<77x512xf32, #tpu.memory_space<vmem>> -> memref<1x512xf32, #tpu.memory_space<vmem>>
        %dma_start3A_418 = arith.constant 0 : i32
        %dma_start3A_419 = tpu.memref_slice %arg8[%mul3A_254, %dma_start3A_418] : memref<32x16xi32, #tpu.memory_space<vmem>> -> memref<1x1xi32, #tpu.memory_space<vmem>>
        %dma_start3A_420 = tpu.memref_squeeze %dma_start3A_419 : memref<1x1xi32, #tpu.memory_space<vmem>> -> memref<1xi32, #tpu.memory_space<vmem>>
        %dma_start3A_421 = arith.constant 0 : i32
        %dma_start3A_422 = arith.constant 0 : i32
        %dma_start3A_423 = tpu.memref_slice %arg2[%dma_start3A_421, %dma_start3A_422] : memref<1000x512xf32, #tpu.memory_space<hbm>> -> memref<1000x512xf32, #tpu.memory_space<hbm>>
        tpu.enqueue_indirect_dma source(%dma_start3A_423 : memref<1000x512xf32, #tpu.memory_space<hbm>>) target(%dma_start3A_417 : memref<1x512xf32, #tpu.memory_space<vmem>>) offsets(%dma_start3A_420 : memref<1xi32, #tpu.memory_space<vmem>>) semaphore(%arg13 : memref<!tpu.dma_semaphore, #tpu.memory_space<semaphore_mem>>)
      } else {
      }
      %add3A_257 = arith.constant 1 : i32
      %add3A_258 = arith.addi %mul3A_254, %add3A_257 : i32
      %broadcast_in_dim3A_259 = vector.broadcast %add3A_258 : i32 to vector<16xi32>
      %gather3A_260 = tpu.vector_load_idx %arg7[%broadcast_in_dim3A_259] : memref<32xi32, #tpu.memory_space<vmem>>[vector<16xi32>], vector<16xi32>,
      %mul3A_261 = arith.constant 72 : i32
      %mul3A_262 = vector.broadcast %mul3A_261 : i32 to vector<16xi32>
      %mul3A_263 = arith.muli %gather3A_260, %mul3A_262 : vector<16xi32>
      %add3A_264 = arith.constant 0 : i32
      %add3A_265 = vector.broadcast %add3A_264 : i32 to vector<16xi32>
      %add3A_266 = arith.addi %add3A_265, %iota3A : vector<16xi32>
      %add3A_267 = arith.addi %mul3A_263, %add3A_266 : vector<16xi32>
      %swap3A_268 = arith.constant 0 : index
      %swap3A_269 = tpu.vector_load %arg10[%swap3A_268] {strides = array<i32>} : memref<72xi32, #tpu.memory_space<vmem>>, vector<16xi32>,
      tpu.vector_store %arg10[%swap3A_268], %add3A_267 {strides = array<i32>} : memref<72xi32, #tpu.memory_space<vmem>>, vector<16xi32>,
      %mul3A_270 = arith.constant 72 : i32
      %mul3A_271 = vector.broadcast %mul3A_270 : i32 to vector<16xi32>
      %mul3A_272 = arith.muli %gather3A_260, %mul3A_271 : vector<16xi32>
      %add3A_273 = arith.constant 16 : i32
      %add3A_274 = vector.broadcast %add3A_273 : i32 to vector<16xi32>
      %add3A_275 = arith.addi %add3A_274, %iota3A : vector<16xi32>
      %add3A_276 = arith.addi %mul3A_272, %add3A_275 : vector<16xi32>
      %swap3A_277 = arith.constant 16 : index
      %swap3A_278 = tpu.vector_load %arg10[%swap3A_277] {strides = array<i32>} : memref<72xi32, #tpu.memory_space<vmem>>, vector<16xi32>,
      tpu.vector_store %arg10[%swap3A_277], %add3A_276 {strides = array<i32>} : memref<72xi32, #tpu.memory_space<vmem>>, vector<16xi32>,
      %mul3A_279 = arith.constant 72 : i32
      %mul3A_280 = vector.broadcast %mul3A_279 : i32 to vector<16xi32>
      %mul3A_281 = arith.muli %gather3A_260, %mul3A_280 : vector<16xi32>
      %add3A_282 = arith.constant 32 : i32
      %add3A_283 = vector.broadcast %add3A_282 : i32 to vector<16xi32>
      %add3A_284 = arith.addi %add3A_283, %iota3A : vector<16xi32>
      %add3A_285 = arith.addi %mul3A_281, %add3A_284 : vector<16xi32>
      %swap3A_286 = arith.constant 32 : index
      %swap3A_287 = tpu.vector_load %arg10[%swap3A_286] {strides = array<i32>} : memref<72xi32, #tpu.memory_space<vmem>>, vector<16xi32>,
      tpu.vector_store %arg10[%swap3A_286], %add3A_285 {strides = array<i32>} : memref<72xi32, #tpu.memory_space<vmem>>, vector<16xi32>,
      %mul3A_288 = arith.constant 72 : i32
      %mul3A_289 = vector.broadcast %mul3A_288 : i32 to vector<16xi32>
      %mul3A_290 = arith.muli %gather3A_260, %mul3A_289 : vector<16xi32>
      %add3A_291 = arith.constant 48 : i32
      %add3A_292 = vector.broadcast %add3A_291 : i32 to vector<16xi32>
      %add3A_293 = arith.addi %add3A_292, %iota3A : vector<16xi32>
      %add3A_294 = arith.addi %mul3A_290, %add3A_293 : vector<16xi32>
      %swap3A_295 = arith.constant 48 : index
      %swap3A_296 = tpu.vector_load %arg10[%swap3A_295] {strides = array<i32>} : memref<72xi32, #tpu.memory_space<vmem>>, vector<16xi32>,
      tpu.vector_store %arg10[%swap3A_295], %add3A_294 {strides = array<i32>} : memref<72xi32, #tpu.memory_space<vmem>>, vector<16xi32>,
      %mul3A_297 = arith.constant 72 : i32
      %mul3A_298 = vector.broadcast %mul3A_297 : i32 to vector<16xi32>
      %mul3A_299 = arith.muli %gather3A_260, %mul3A_298 : vector<16xi32>
      %add3A_300 = arith.constant 56 : i32
      %add3A_301 = vector.broadcast %add3A_300 : i32 to vector<16xi32>
      %add3A_302 = arith.addi %add3A_301, %iota3A : vector<16xi32>
      %add3A_303 = arith.addi %mul3A_299, %add3A_302 : vector<16xi32>
      %swap3A_304 = arith.constant 56 : index
      %swap3A_305 = tpu.vector_load %arg10[%swap3A_304] {strides = array<i32>} : memref<72xi32, #tpu.memory_space<vmem>>, vector<16xi32>,
      tpu.vector_store %arg10[%swap3A_304], %add3A_303 {strides = array<i32>} : memref<72xi32, #tpu.memory_space<vmem>>, vector<16xi32>,
      %dma_start3A = arith.constant 5 : i32
      %dma_start3A_306 = arith.constant 0 : i32
      %dma_start3A_307 = tpu.memref_slice %arg12[%dma_start3A, %dma_start3A_306] : memref<77x512xf32, #tpu.memory_space<vmem>> -> memref<72x512xf32, #tpu.memory_space<vmem>>
      %dma_start3A_308 = arith.constant 0 : i32
      %dma_start3A_309 = arith.constant 0 : i32
      %dma_start3A_310 = tpu.memref_slice %arg3[%dma_start3A_308, %dma_start3A_309] : memref<72000x512xf32, #tpu.memory_space<hbm>> -> memref<72000x512xf32, #tpu.memory_space<hbm>>
      tpu.enqueue_indirect_dma source(%dma_start3A_310 : memref<72000x512xf32, #tpu.memory_space<hbm>>) target(%dma_start3A_307 : memref<72x512xf32, #tpu.memory_space<vmem>>) offsets(%arg10 : memref<72xi32, #tpu.memory_space<vmem>>) semaphore(%arg14 : memref<!tpu.dma_semaphore, #tpu.memory_space<semaphore_mem>>)
      %dma_start3A_311 = arith.constant 0 : i32
      %dma_start3A_312 = arith.constant 0 : i32
      %dma_start3A_313 = tpu.memref_slice %arg12[%dma_start3A_311, %dma_start3A_312] : memref<77x512xf32, #tpu.memory_space<vmem>> -> memref<1x512xf32, #tpu.memory_space<vmem>>
      %dma_start3A_314 = arith.constant 0 : i32
      %dma_start3A_315 = tpu.memref_slice %arg8[%add3A_258, %dma_start3A_314] : memref<32x16xi32, #tpu.memory_space<vmem>> -> memref<1x1xi32, #tpu.memory_space<vmem>>
      %dma_start3A_316 = tpu.memref_squeeze %dma_start3A_315 : memref<1x1xi32, #tpu.memory_space<vmem>> -> memref<1xi32, #tpu.memory_space<vmem>>
      %dma_start3A_317 = arith.constant 0 : i32
      %dma_start3A_318 = arith.constant 0 : i32
      %dma_start3A_319 = tpu.memref_slice %arg2[%dma_start3A_317, %dma_start3A_318] : memref<1000x512xf32, #tpu.memory_space<hbm>> -> memref<1000x512xf32, #tpu.memory_space<hbm>>
      tpu.enqueue_indirect_dma source(%dma_start3A_319 : memref<1000x512xf32, #tpu.memory_space<hbm>>) target(%dma_start3A_313 : memref<1x512xf32, #tpu.memory_space<vmem>>) offsets(%dma_start3A_316 : memref<1xi32, #tpu.memory_space<vmem>>) semaphore(%arg14 : memref<!tpu.dma_semaphore, #tpu.memory_space<semaphore_mem>>)
      %dma_wait3A = arith.constant 5 : i32
      %dma_wait3A_320 = arith.constant 0 : i32
      %dma_wait3A_321 = tpu.memref_slice %arg11[%dma_wait3A, %dma_wait3A_320] : memref<77x512xf32, #tpu.memory_space<vmem>> -> memref<72x512xf32, #tpu.memory_space<vmem>>
      %dma_wait3A_322 = arith.constant 0 : i32
      %dma_wait3A_323 = arith.constant 0 : i32
      %dma_wait3A_324 = tpu.memref_slice %arg3[%dma_wait3A_322, %dma_wait3A_323] : memref<72000x512xf32, #tpu.memory_space<hbm>> -> memref<72000x512xf32, #tpu.memory_space<hbm>>
      tpu.wait_indirect_dma semaphore(%arg13 : memref<!tpu.dma_semaphore, #tpu.memory_space<semaphore_mem>>) src(%dma_wait3A_324 : memref<72000x512xf32, #tpu.memory_space<hbm>>) dst(%dma_wait3A_321 : memref<72x512xf32, #tpu.memory_space<vmem>>)
      %dma_wait3A_325 = arith.constant 0 : i32
      %dma_wait3A_326 = arith.constant 0 : i32
      %dma_wait3A_327 = tpu.memref_slice %arg11[%dma_wait3A_325, %dma_wait3A_326] : memref<77x512xf32, #tpu.memory_space<vmem>> -> memref<1x512xf32, #tpu.memory_space<vmem>>
      %dma_wait3A_328 = arith.constant 0 : i32
      %dma_wait3A_329 = tpu.memref_slice %arg8[%mul3A_254, %dma_wait3A_328] : memref<32x16xi32, #tpu.memory_space<vmem>> -> memref<1x1xi32, #tpu.memory_space<vmem>>
      %dma_wait3A_330 = tpu.memref_squeeze %dma_wait3A_329 : memref<1x1xi32, #tpu.memory_space<vmem>> -> memref<1xi32, #tpu.memory_space<vmem>>
      %dma_wait3A_331 = arith.constant 0 : i32
      %dma_wait3A_332 = arith.constant 0 : i32
      %dma_wait3A_333 = tpu.memref_slice %arg2[%dma_wait3A_331, %dma_wait3A_332] : memref<1000x512xf32, #tpu.memory_space<hbm>> -> memref<1000x512xf32, #tpu.memory_space<hbm>>
      tpu.wait_indirect_dma semaphore(%arg13 : memref<!tpu.dma_semaphore, #tpu.memory_space<semaphore_mem>>) src(%dma_wait3A_333 : memref<1000x512xf32, #tpu.memory_space<hbm>>) dst(%dma_wait3A_327 : memref<1x512xf32, #tpu.memory_space<vmem>>)
      %add3A_334 = arith.addi %mul3A_2, %mul3A_254 : i32
      %mul3A_335 = arith.constant 77 : i32
      %mul3A_336 = arith.muli %add3A_334, %mul3A_335 : i32
      "tpu.region"() ({
        %run_scoped3A = tpu.sem_alloc : memref<!tpu.dma_semaphore, #tpu.memory_space<semaphore_mem>>
        %dma_start3A_362 = arith.constant 0 : i32
        %dma_start3A_363 = tpu.memref_slice %arg6[%mul3A_336, %dma_start3A_362] : memref<77000x512xf32, #tpu.memory_space<hbm>> -> memref<77x512xf32, #tpu.memory_space<hbm>>
        %dma_start3A_364 = arith.constant 0 : i32
        %dma_start3A_365 = tpu.memref_slice %arg6[%mul3A_336, %dma_start3A_364] : memref<77000x512xf32, #tpu.memory_space<hbm>> -> memref<77x512xf32, #tpu.memory_space<hbm>>
        tpu.enqueue_dma source(%arg11 : memref<77x512xf32, #tpu.memory_space<vmem>>) target(%dma_start3A_365 : memref<77x512xf32, #tpu.memory_space<hbm>>) target_semaphore(%run_scoped3A : memref<!tpu.dma_semaphore, #tpu.memory_space<semaphore_mem>>)
        %dma_wait3A_366 = arith.constant 0 : i32
        %dma_wait3A_367 = tpu.memref_slice %arg6[%mul3A_336, %dma_wait3A_366] : memref<77000x512xf32, #tpu.memory_space<hbm>> -> memref<77x512xf32, #tpu.memory_space<hbm>>
        %dma_wait3A_368 = arith.constant 0 : i32
        %dma_wait3A_369 = tpu.memref_slice %arg6[%mul3A_336, %dma_wait3A_368] : memref<77000x512xf32, #tpu.memory_space<hbm>> -> memref<77x512xf32, #tpu.memory_space<hbm>>
        tpu.wait_dma2 semaphore(%run_scoped3A : memref<!tpu.dma_semaphore, #tpu.memory_space<semaphore_mem>>) src(%arg11 : memref<77x512xf32, #tpu.memory_space<vmem>>) dst(%dma_wait3A_369 : memref<77x512xf32, #tpu.memory_space<hbm>>)
        tpu.yield
      }) : () -> ()
      %add3A_337 = arith.constant 2 : i32
      %add3A_338 = arith.addi %mul3A_254, %add3A_337 : i32
      %lt3A = arith.cmpi slt, %add3A_338, %min3A_4 : i32
      %convert_element_type3A_339 = arith.extui %lt3A : i1 to i32
      %cond3A_340 = arith.constant 0 : i32
      %cond3A_341 = arith.cmpi ne, %convert_element_type3A_339, %cond3A_340 : i32
      scf.if %cond3A_341 {
        %add3A_362 = arith.constant 2 : i32
        %add3A_363 = arith.addi %mul3A_254, %add3A_362 : i32
        %broadcast_in_dim3A_364 = vector.broadcast %add3A_363 : i32 to vector<16xi32>
        %gather3A_365 = tpu.vector_load_idx %arg7[%broadcast_in_dim3A_364] : memref<32xi32, #tpu.memory_space<vmem>>[vector<16xi32>], vector<16xi32>,
        %mul3A_366 = arith.constant 72 : i32
        %mul3A_367 = vector.broadcast %mul3A_366 : i32 to vector<16xi32>
        %mul3A_368 = arith.muli %gather3A_365, %mul3A_367 : vector<16xi32>
        %add3A_369 = arith.constant 0 : i32
        %add3A_370 = vector.broadcast %add3A_369 : i32 to vector<16xi32>
        %add3A_371 = arith.addi %add3A_370, %iota3A : vector<16xi32>
        %add3A_372 = arith.addi %mul3A_368, %add3A_371 : vector<16xi32>
        %swap3A_373 = arith.constant 0 : index
        %swap3A_374 = tpu.vector_load %arg9[%swap3A_373] {strides = array<i32>} : memref<72xi32, #tpu.memory_space<vmem>>, vector<16xi32>,
        tpu.vector_store %arg9[%swap3A_373], %add3A_372 {strides = array<i32>} : memref<72xi32, #tpu.memory_space<vmem>>, vector<16xi32>,
        %mul3A_375 = arith.constant 72 : i32
        %mul3A_376 = vector.broadcast %mul3A_375 : i32 to vector<16xi32>
        %mul3A_377 = arith.muli %gather3A_365, %mul3A_376 : vector<16xi32>
        %add3A_378 = arith.constant 16 : i32
        %add3A_379 = vector.broadcast %add3A_378 : i32 to vector<16xi32>
        %add3A_380 = arith.addi %add3A_379, %iota3A : vector<16xi32>
        %add3A_381 = arith.addi %mul3A_377, %add3A_380 : vector<16xi32>
        %swap3A_382 = arith.constant 16 : index
        %swap3A_383 = tpu.vector_load %arg9[%swap3A_382] {strides = array<i32>} : memref<72xi32, #tpu.memory_space<vmem>>, vector<16xi32>,
        tpu.vector_store %arg9[%swap3A_382], %add3A_381 {strides = array<i32>} : memref<72xi32, #tpu.memory_space<vmem>>, vector<16xi32>,
        %mul3A_384 = arith.constant 72 : i32
        %mul3A_385 = vector.broadcast %mul3A_384 : i32 to vector<16xi32>
        %mul3A_386 = arith.muli %gather3A_365, %mul3A_385 : vector<16xi32>
        %add3A_387 = arith.constant 32 : i32
        %add3A_388 = vector.broadcast %add3A_387 : i32 to vector<16xi32>
        %add3A_389 = arith.addi %add3A_388, %iota3A : vector<16xi32>
        %add3A_390 = arith.addi %mul3A_386, %add3A_389 : vector<16xi32>
        %swap3A_391 = arith.constant 32 : index
        %swap3A_392 = tpu.vector_load %arg9[%swap3A_391] {strides = array<i32>} : memref<72xi32, #tpu.memory_space<vmem>>, vector<16xi32>,
        tpu.vector_store %arg9[%swap3A_391], %add3A_390 {strides = array<i32>} : memref<72xi32, #tpu.memory_space<vmem>>, vector<16xi32>,
        %mul3A_393 = arith.constant 72 : i32
        %mul3A_394 = vector.broadcast %mul3A_393 : i32 to vector<16xi32>
        %mul3A_395 = arith.muli %gather3A_365, %mul3A_394 : vector<16xi32>
        %add3A_396 = arith.constant 48 : i32
        %add3A_397 = vector.broadcast %add3A_396 : i32 to vector<16xi32>
        %add3A_398 = arith.addi %add3A_397, %iota3A : vector<16xi32>
        %add3A_399 = arith.addi %mul3A_395, %add3A_398 : vector<16xi32>
        %swap3A_400 = arith.constant 48 : index
        %swap3A_401 = tpu.vector_load %arg9[%swap3A_400] {strides = array<i32>} : memref<72xi32, #tpu.memory_space<vmem>>, vector<16xi32>,
        tpu.vector_store %arg9[%swap3A_400], %add3A_399 {strides = array<i32>} : memref<72xi32, #tpu.memory_space<vmem>>, vector<16xi32>,
        %mul3A_402 = arith.constant 72 : i32
        %mul3A_403 = vector.broadcast %mul3A_402 : i32 to vector<16xi32>
        %mul3A_404 = arith.muli %gather3A_365, %mul3A_403 : vector<16xi32>
        %add3A_405 = arith.constant 56 : i32
        %add3A_406 = vector.broadcast %add3A_405 : i32 to vector<16xi32>
        %add3A_407 = arith.addi %add3A_406, %iota3A : vector<16xi32>
        %add3A_408 = arith.addi %mul3A_404, %add3A_407 : vector<16xi32>
        %swap3A_409 = arith.constant 56 : index
        %swap3A_410 = tpu.vector_load %arg9[%swap3A_409] {strides = array<i32>} : memref<72xi32, #tpu.memory_space<vmem>>, vector<16xi32>,
        tpu.vector_store %arg9[%swap3A_409], %add3A_408 {strides = array<i32>} : memref<72xi32, #tpu.memory_space<vmem>>, vector<16xi32>,
        %dma_start3A_411 = arith.constant 5 : i32
        %dma_start3A_412 = arith.constant 0 : i32
        %dma_start3A_413 = tpu.memref_slice %arg11[%dma_start3A_411, %dma_start3A_412] : memref<77x512xf32, #tpu.memory_space<vmem>> -> memref<72x512xf32, #tpu.memory_space<vmem>>
        %dma_start3A_414 = arith.constant 0 : i32
        %dma_start3A_415 = arith.constant 0 : i32
        %dma_start3A_416 = tpu.memref_slice %arg3[%dma_start3A_414, %dma_start3A_415] : memref<72000x512xf32, #tpu.memory_space<hbm>> -> memref<72000x512xf32, #tpu.memory_space<hbm>>
        tpu.enqueue_indirect_dma source(%dma_start3A_416 : memref<72000x512xf32, #tpu.memory_space<hbm>>) target(%dma_start3A_413 : memref<72x512xf32, #tpu.memory_space<vmem>>) offsets(%arg9 : memref<72xi32, #tpu.memory_space<vmem>>) semaphore(%arg13 : memref<!tpu.dma_semaphore, #tpu.memory_space<semaphore_mem>>)
        %dma_start3A_417 = arith.constant 0 : i32
        %dma_start3A_418 = arith.constant 0 : i32
        %dma_start3A_419 = tpu.memref_slice %arg11[%dma_start3A_417, %dma_start3A_418] : memref<77x512xf32, #tpu.memory_space<vmem>> -> memref<1x512xf32, #tpu.memory_space<vmem>>
        %dma_start3A_420 = arith.constant 0 : i32
        %dma_start3A_421 = tpu.memref_slice %arg8[%add3A_363, %dma_start3A_420] : memref<32x16xi32, #tpu.memory_space<vmem>> -> memref<1x1xi32, #tpu.memory_space<vmem>>
        %dma_start3A_422 = tpu.memref_squeeze %dma_start3A_421 : memref<1x1xi32, #tpu.memory_space<vmem>> -> memref<1xi32, #tpu.memory_space<vmem>>
        %dma_start3A_423 = arith.constant 0 : i32
        %dma_start3A_424 = arith.constant 0 : i32
        %dma_start3A_425 = tpu.memref_slice %arg2[%dma_start3A_423, %dma_start3A_424] : memref<1000x512xf32, #tpu.memory_space<hbm>> -> memref<1000x512xf32, #tpu.memory_space<hbm>>
        tpu.enqueue_indirect_dma source(%dma_start3A_425 : memref<1000x512xf32, #tpu.memory_space<hbm>>) target(%dma_start3A_419 : memref<1x512xf32, #tpu.memory_space<vmem>>) offsets(%dma_start3A_422 : memref<1xi32, #tpu.memory_space<vmem>>) semaphore(%arg13 : memref<!tpu.dma_semaphore, #tpu.memory_space<semaphore_mem>>)
      } else {
      }
      %add3A_342 = arith.constant 1 : i32
      %add3A_343 = arith.addi %mul3A_254, %add3A_342 : i32
      %dma_wait3A_344 = arith.constant 5 : i32
      %dma_wait3A_345 = arith.constant 0 : i32
      %dma_wait3A_346 = tpu.memref_slice %arg12[%dma_wait3A_344, %dma_wait3A_345] : memref<77x512xf32, #tpu.memory_space<vmem>> -> memref<72x512xf32, #tpu.memory_space<vmem>>
      %dma_wait3A_347 = arith.constant 0 : i32
      %dma_wait3A_348 = arith.constant 0 : i32
      %dma_wait3A_349 = tpu.memref_slice %arg3[%dma_wait3A_347, %dma_wait3A_348] : memref<72000x512xf32, #tpu.memory_space<hbm>> -> memref<72000x512xf32, #tpu.memory_space<hbm>>
      tpu.wait_indirect_dma semaphore(%arg14 : memref<!tpu.dma_semaphore, #tpu.memory_space<semaphore_mem>>) src(%dma_wait3A_349 : memref<72000x512xf32, #tpu.memory_space<hbm>>) dst(%dma_wait3A_346 : memref<72x512xf32, #tpu.memory_space<vmem>>)
      %dma_wait3A_350 = arith.constant 0 : i32
      %dma_wait3A_351 = arith.constant 0 : i32
      %dma_wait3A_352 = tpu.memref_slice %arg12[%dma_wait3A_350, %dma_wait3A_351] : memref<77x512xf32, #tpu.memory_space<vmem>> -> memref<1x512xf32, #tpu.memory_space<vmem>>
      %dma_wait3A_353 = arith.constant 0 : i32
      %dma_wait3A_354 = tpu.memref_slice %arg8[%add3A_343, %dma_wait3A_353] : memref<32x16xi32, #tpu.memory_space<vmem>> -> memref<1x1xi32, #tpu.memory_space<vmem>>
      %dma_wait3A_355 = tpu.memref_squeeze %dma_wait3A_354 : memref<1x1xi32, #tpu.memory_space<vmem>> -> memref<1xi32, #tpu.memory_space<vmem>>
      %dma_wait3A_356 = arith.constant 0 : i32
      %dma_wait3A_357 = arith.constant 0 : i32
      %dma_wait3A_358 = tpu.memref_slice %arg2[%dma_wait3A_356, %dma_wait3A_357] : memref<1000x512xf32, #tpu.memory_space<hbm>> -> memref<1000x512xf32, #tpu.memory_space<hbm>>
      tpu.wait_indirect_dma semaphore(%arg14 : memref<!tpu.dma_semaphore, #tpu.memory_space<semaphore_mem>>) src(%dma_wait3A_358 : memref<1000x512xf32, #tpu.memory_space<hbm>>) dst(%dma_wait3A_352 : memref<1x512xf32, #tpu.memory_space<vmem>>)
      %add3A_359 = arith.addi %mul3A_2, %add3A_343 : i32
      %mul3A_360 = arith.constant 77 : i32
      %mul3A_361 = arith.muli %add3A_359, %mul3A_360 : i32
      "tpu.region"() ({
        %run_scoped3A = tpu.sem_alloc : memref<!tpu.dma_semaphore, #tpu.memory_space<semaphore_mem>>
        %dma_start3A_362 = arith.constant 0 : i32
        %dma_start3A_363 = tpu.memref_slice %arg6[%mul3A_361, %dma_start3A_362] : memref<77000x512xf32, #tpu.memory_space<hbm>> -> memref<77x512xf32, #tpu.memory_space<hbm>>
        %dma_start3A_364 = arith.constant 0 : i32
        %dma_start3A_365 = tpu.memref_slice %arg6[%mul3A_361, %dma_start3A_364] : memref<77000x512xf32, #tpu.memory_space<hbm>> -> memref<77x512xf32, #tpu.memory_space<hbm>>
        tpu.enqueue_dma source(%arg12 : memref<77x512xf32, #tpu.memory_space<vmem>>) target(%dma_start3A_365 : memref<77x512xf32, #tpu.memory_space<hbm>>) target_semaphore(%run_scoped3A : memref<!tpu.dma_semaphore, #tpu.memory_space<semaphore_mem>>)
        %dma_wait3A_366 = arith.constant 0 : i32
        %dma_wait3A_367 = tpu.memref_slice %arg6[%mul3A_361, %dma_wait3A_366] : memref<77000x512xf32, #tpu.memory_space<hbm>> -> memref<77x512xf32, #tpu.memory_space<hbm>>
        %dma_wait3A_368 = arith.constant 0 : i32
        %dma_wait3A_369 = tpu.memref_slice %arg6[%mul3A_361, %dma_wait3A_368] : memref<77000x512xf32, #tpu.memory_space<hbm>> -> memref<77x512xf32, #tpu.memory_space<hbm>>
        tpu.wait_dma2 semaphore(%run_scoped3A : memref<!tpu.dma_semaphore, #tpu.memory_space<semaphore_mem>>) src(%arg12 : memref<77x512xf32, #tpu.memory_space<vmem>>) dst(%dma_wait3A_369 : memref<77x512xf32, #tpu.memory_space<hbm>>)
        tpu.yield
      }) : () -> ()
    }
    %while3A_251 = arith.constant 1 : i32
    scf.for %while3A_252 = %while3A_249 to %while3A_245 step %while3A_251  : i32 {
      %mul3A_253 = arith.constant 2 : i32
      %mul3A_254 = arith.muli %mul3A_253, %while3A_252 : i32
      %eq3A = arith.constant 0 : i32
      %eq3A_255 = arith.cmpi eq, %while3A_252, %eq3A : i32
      %convert_element_type3A = arith.extui %eq3A_255 : i1 to i32
      %cond3A = arith.constant 0 : i32
      %cond3A_256 = arith.cmpi ne, %convert_element_type3A, %cond3A : i32
      scf.if %cond3A_256 {
        %broadcast_in_dim3A_362 = vector.broadcast %mul3A_254 : i32 to vector<16xi32>
        %gather3A_363 = tpu.vector_load_idx %arg7[%broadcast_in_dim3A_362] : memref<32xi32, #tpu.memory_space<vmem>>[vector<16xi32>], vector<16xi32>,
        %mul3A_364 = arith.constant 72 : i32
        %mul3A_365 = vector.broadcast %mul3A_364 : i32 to vector<16xi32>
        %mul3A_366 = arith.muli %gather3A_363, %mul3A_365 : vector<16xi32>
        %add3A_367 = arith.constant 0 : i32
        %add3A_368 = vector.broadcast %add3A_367 : i32 to vector<16xi32>
        %add3A_369 = arith.addi %add3A_368, %iota3A : vector<16xi32>
        %add3A_370 = arith.addi %mul3A_366, %add3A_369 : vector<16xi32>
        %swap3A_371 = arith.constant 0 : index
        %swap3A_372 = tpu.vector_load %arg9[%swap3A_371] {strides = array<i32>} : memref<72xi32, #tpu.memory_space<vmem>>, vector<16xi32>,
        tpu.vector_store %arg9[%swap3A_371], %add3A_370 {strides = array<i32>} : memref<72xi32, #tpu.memory_space<vmem>>, vector<16xi32>,
        %mul3A_373 = arith.constant 72 : i32
        %mul3A_374 = vector.broadcast %mul3A_373 : i32 to vector<16xi32>
        %mul3A_375 = arith.muli %gather3A_363, %mul3A_374 : vector<16xi32>
        %add3A_376 = arith.constant 16 : i32
        %add3A_377 = vector.broadcast %add3A_376 : i32 to vector<16xi32>
        %add3A_378 = arith.addi %add3A_377, %iota3A : vector<16xi32>
        %add3A_379 = arith.addi %mul3A_375, %add3A_378 : vector<16xi32>
        %swap3A_380 = arith.constant 16 : index
        %swap3A_381 = tpu.vector_load %arg9[%swap3A_380] {strides = array<i32>} : memref<72xi32, #tpu.memory_space<vmem>>, vector<16xi32>,
        tpu.vector_store %arg9[%swap3A_380], %add3A_379 {strides = array<i32>} : memref<72xi32, #tpu.memory_space<vmem>>, vector<16xi32>,
        %mul3A_382 = arith.constant 72 : i32
        %mul3A_383 = vector.broadcast %mul3A_382 : i32 to vector<16xi32>
        %mul3A_384 = arith.muli %gather3A_363, %mul3A_383 : vector<16xi32>
        %add3A_385 = arith.constant 32 : i32
        %add3A_386 = vector.broadcast %add3A_385 : i32 to vector<16xi32>
        %add3A_387 = arith.addi %add3A_386, %iota3A : vector<16xi32>
        %add3A_388 = arith.addi %mul3A_384, %add3A_387 : vector<16xi32>
        %swap3A_389 = arith.constant 32 : index
        %swap3A_390 = tpu.vector_load %arg9[%swap3A_389] {strides = array<i32>} : memref<72xi32, #tpu.memory_space<vmem>>, vector<16xi32>,
        tpu.vector_store %arg9[%swap3A_389], %add3A_388 {strides = array<i32>} : memref<72xi32, #tpu.memory_space<vmem>>, vector<16xi32>,
        %mul3A_391 = arith.constant 72 : i32
        %mul3A_392 = vector.broadcast %mul3A_391 : i32 to vector<16xi32>
        %mul3A_393 = arith.muli %gather3A_363, %mul3A_392 : vector<16xi32>
        %add3A_394 = arith.constant 48 : i32
        %add3A_395 = vector.broadcast %add3A_394 : i32 to vector<16xi32>
        %add3A_396 = arith.addi %add3A_395, %iota3A : vector<16xi32>
        %add3A_397 = arith.addi %mul3A_393, %add3A_396 : vector<16xi32>
        %swap3A_398 = arith.constant 48 : index
        %swap3A_399 = tpu.vector_load %arg9[%swap3A_398] {strides = array<i32>} : memref<72xi32, #tpu.memory_space<vmem>>, vector<16xi32>,
        tpu.vector_store %arg9[%swap3A_398], %add3A_397 {strides = array<i32>} : memref<72xi32, #tpu.memory_space<vmem>>, vector<16xi32>,
        %mul3A_400 = arith.constant 72 : i32
        %mul3A_401 = vector.broadcast %mul3A_400 : i32 to vector<16xi32>
        %mul3A_402 = arith.muli %gather3A_363, %mul3A_401 : vector<16xi32>
        %add3A_403 = arith.constant 56 : i32
        %add3A_404 = vector.broadcast %add3A_403 : i32 to vector<16xi32>
        %add3A_405 = arith.addi %add3A_404, %iota3A : vector<16xi32>
        %add3A_406 = arith.addi %mul3A_402, %add3A_405 : vector<16xi32>
        %swap3A_407 = arith.constant 56 : index
        %swap3A_408 = tpu.vector_load %arg9[%swap3A_407] {strides = array<i32>} : memref<72xi32, #tpu.memory_space<vmem>>, vector<16xi32>,
        tpu.vector_store %arg9[%swap3A_407], %add3A_406 {strides = array<i32>} : memref<72xi32, #tpu.memory_space<vmem>>, vector<16xi32>,
        %dma_start3A_409 = arith.constant 5 : i32
        %dma_start3A_410 = arith.constant 0 : i32
        %dma_start3A_411 = tpu.memref_slice %arg11[%dma_start3A_409, %dma_start3A_410] : memref<77x512xf32, #tpu.memory_space<vmem>> -> memref<72x512xf32, #tpu.memory_space<vmem>>
        %dma_start3A_412 = arith.constant 0 : i32
        %dma_start3A_413 = arith.constant 0 : i32
        %dma_start3A_414 = tpu.memref_slice %arg3[%dma_start3A_412, %dma_start3A_413] : memref<72000x512xf32, #tpu.memory_space<hbm>> -> memref<72000x512xf32, #tpu.memory_space<hbm>>
        tpu.enqueue_indirect_dma source(%dma_start3A_414 : memref<72000x512xf32, #tpu.memory_space<hbm>>) target(%dma_start3A_411 : memref<72x512xf32, #tpu.memory_space<vmem>>) offsets(%arg9 : memref<72xi32, #tpu.memory_space<vmem>>) semaphore(%arg13 : memref<!tpu.dma_semaphore, #tpu.memory_space<semaphore_mem>>)
        %dma_start3A_415 = arith.constant 0 : i32
        %dma_start3A_416 = arith.constant 0 : i32
        %dma_start3A_417 = tpu.memref_slice %arg11[%dma_start3A_415, %dma_start3A_416] : memref<77x512xf32, #tpu.memory_space<vmem>> -> memref<1x512xf32, #tpu.memory_space<vmem>>
        %dma_start3A_418 = arith.constant 0 : i32
        %dma_start3A_419 = tpu.memref_slice %arg8[%mul3A_254, %dma_start3A_418] : memref<32x16xi32, #tpu.memory_space<vmem>> -> memref<1x1xi32, #tpu.memory_space<vmem>>
        %dma_start3A_420 = tpu.memref_squeeze %dma_start3A_419 : memref<1x1xi32, #tpu.memory_space<vmem>> -> memref<1xi32, #tpu.memory_space<vmem>>
        %dma_start3A_421 = arith.constant 0 : i32
        %dma_start3A_422 = arith.constant 0 : i32
        %dma_start3A_423 = tpu.memref_slice %arg2[%dma_start3A_421, %dma_start3A_422] : memref<1000x512xf32, #tpu.memory_space<hbm>> -> memref<1000x512xf32, #tpu.memory_space<hbm>>
        tpu.enqueue_indirect_dma source(%dma_start3A_423 : memref<1000x512xf32, #tpu.memory_space<hbm>>) target(%dma_start3A_417 : memref<1x512xf32, #tpu.memory_space<vmem>>) offsets(%dma_start3A_420 : memref<1xi32, #tpu.memory_space<vmem>>) semaphore(%arg13 : memref<!tpu.dma_semaphore, #tpu.memory_space<semaphore_mem>>)
      } else {
      }
      %add3A_257 = arith.constant 1 : i32
      %add3A_258 = arith.addi %mul3A_254, %add3A_257 : i32
      %broadcast_in_dim3A_259 = vector.broadcast %add3A_258 : i32 to vector<16xi32>
      %gather3A_260 = tpu.vector_load_idx %arg7[%broadcast_in_dim3A_259] : memref<32xi32, #tpu.memory_space<vmem>>[vector<16xi32>], vector<16xi32>,
      %mul3A_261 = arith.constant 72 : i32
      %mul3A_262 = vector.broadcast %mul3A_261 : i32 to vector<16xi32>
      %mul3A_263 = arith.muli %gather3A_260, %mul3A_262 : vector<16xi32>
      %add3A_264 = arith.constant 0 : i32
      %add3A_265 = vector.broadcast %add3A_264 : i32 to vector<16xi32>
      %add3A_266 = arith.addi %add3A_265, %iota3A : vector<16xi32>
      %add3A_267 = arith.addi %mul3A_263, %add3A_266 : vector<16xi32>
      %swap3A_268 = arith.constant 0 : index
      %swap3A_269 = tpu.vector_load %arg10[%swap3A_268] {strides = array<i32>} : memref<72xi32, #tpu.memory_space<vmem>>, vector<16xi32>,
      tpu.vector_store %arg10[%swap3A_268], %add3A_267 {strides = array<i32>} : memref<72xi32, #tpu.memory_space<vmem>>, vector<16xi32>,
      %mul3A_270 = arith.constant 72 : i32
      %mul3A_271 = vector.broadcast %mul3A_270 : i32 to vector<16xi32>
      %mul3A_272 = arith.muli %gather3A_260, %mul3A_271 : vector<16xi32>
      %add3A_273 = arith.constant 16 : i32
      %add3A_274 = vector.broadcast %add3A_273 : i32 to vector<16xi32>
      %add3A_275 = arith.addi %add3A_274, %iota3A : vector<16xi32>
      %add3A_276 = arith.addi %mul3A_272, %add3A_275 : vector<16xi32>
      %swap3A_277 = arith.constant 16 : index
      %swap3A_278 = tpu.vector_load %arg10[%swap3A_277] {strides = array<i32>} : memref<72xi32, #tpu.memory_space<vmem>>, vector<16xi32>,
      tpu.vector_store %arg10[%swap3A_277], %add3A_276 {strides = array<i32>} : memref<72xi32, #tpu.memory_space<vmem>>, vector<16xi32>,
      %mul3A_279 = arith.constant 72 : i32
      %mul3A_280 = vector.broadcast %mul3A_279 : i32 to vector<16xi32>
      %mul3A_281 = arith.muli %gather3A_260, %mul3A_280 : vector<16xi32>
      %add3A_282 = arith.constant 32 : i32
      %add3A_283 = vector.broadcast %add3A_282 : i32 to vector<16xi32>
      %add3A_284 = arith.addi %add3A_283, %iota3A : vector<16xi32>
      %add3A_285 = arith.addi %mul3A_281, %add3A_284 : vector<16xi32>
      %swap3A_286 = arith.constant 32 : index
      %swap3A_287 = tpu.vector_load %arg10[%swap3A_286] {strides = array<i32>} : memref<72xi32, #tpu.memory_space<vmem>>, vector<16xi32>,
      tpu.vector_store %arg10[%swap3A_286], %add3A_285 {strides = array<i32>} : memref<72xi32, #tpu.memory_space<vmem>>, vector<16xi32>,
      %mul3A_288 = arith.constant 72 : i32
      %mul3A_289 = vector.broadcast %mul3A_288 : i32 to vector<16xi32>
      %mul3A_290 = arith.muli %gather3A_260, %mul3A_289 : vector<16xi32>
      %add3A_291 = arith.constant 48 : i32
      %add3A_292 = vector.broadcast %add3A_291 : i32 to vector<16xi32>
      %add3A_293 = arith.addi %add3A_292, %iota3A : vector<16xi32>
      %add3A_294 = arith.addi %mul3A_290, %add3A_293 : vector<16xi32>
      %swap3A_295 = arith.constant 48 : index
      %swap3A_296 = tpu.vector_load %arg10[%swap3A_295] {strides = array<i32>} : memref<72xi32, #tpu.memory_space<vmem>>, vector<16xi32>,
      tpu.vector_store %arg10[%swap3A_295], %add3A_294 {strides = array<i32>} : memref<72xi32, #tpu.memory_space<vmem>>, vector<16xi32>,
      %mul3A_297 = arith.constant 72 : i32
      %mul3A_298 = vector.broadcast %mul3A_297 : i32 to vector<16xi32>
      %mul3A_299 = arith.muli %gather3A_260, %mul3A_298 : vector<16xi32>
      %add3A_300 = arith.constant 56 : i32
      %add3A_301 = vector.broadcast %add3A_300 : i32 to vector<16xi32>
      %add3A_302 = arith.addi %add3A_301, %iota3A : vector<16xi32>
      %add3A_303 = arith.addi %mul3A_299, %add3A_302 : vector<16xi32>
      %swap3A_304 = arith.constant 56 : index
      %swap3A_305 = tpu.vector_load %arg10[%swap3A_304] {strides = array<i32>} : memref<72xi32, #tpu.memory_space<vmem>>, vector<16xi32>,
      tpu.vector_store %arg10[%swap3A_304], %add3A_303 {strides = array<i32>} : memref<72xi32, #tpu.memory_space<vmem>>, vector<16xi32>,
      %dma_start3A = arith.constant 5 : i32
      %dma_start3A_306 = arith.constant 0 : i32
      %dma_start3A_307 = tpu.memref_slice %arg12[%dma_start3A, %dma_start3A_306] : memref<77x512xf32, #tpu.memory_space<vmem>> -> memref<72x512xf32, #tpu.memory_space<vmem>>
      %dma_start3A_308 = arith.constant 0 : i32
      %dma_start3A_309 = arith.constant 0 : i32
      %dma_start3A_310 = tpu.memref_slice %arg3[%dma_start3A_308, %dma_start3A_309] : memref<72000x512xf32, #tpu.memory_space<hbm>> -> memref<72000x512xf32, #tpu.memory_space<hbm>>
      tpu.enqueue_indirect_dma source(%dma_start3A_310 : memref<72000x512xf32, #tpu.memory_space<hbm>>) target(%dma_start3A_307 : memref<72x512xf32, #tpu.memory_space<vmem>>) offsets(%arg10 : memref<72xi32, #tpu.memory_space<vmem>>) semaphore(%arg14 : memref<!tpu.dma_semaphore, #tpu.memory_space<semaphore_mem>>)
      %dma_start3A_311 = arith.constant 0 : i32
      %dma_start3A_312 = arith.constant 0 : i32
      %dma_start3A_313 = tpu.memref_slice %arg12[%dma_start3A_311, %dma_start3A_312] : memref<77x512xf32, #tpu.memory_space<vmem>> -> memref<1x512xf32, #tpu.memory_space<vmem>>
      %dma_start3A_314 = arith.constant 0 : i32
      %dma_start3A_315 = tpu.memref_slice %arg8[%add3A_258, %dma_start3A_314] : memref<32x16xi32, #tpu.memory_space<vmem>> -> memref<1x1xi32, #tpu.memory_space<vmem>>
      %dma_start3A_316 = tpu.memref_squeeze %dma_start3A_315 : memref<1x1xi32, #tpu.memory_space<vmem>> -> memref<1xi32, #tpu.memory_space<vmem>>
      %dma_start3A_317 = arith.constant 0 : i32
      %dma_start3A_318 = arith.constant 0 : i32
      %dma_start3A_319 = tpu.memref_slice %arg2[%dma_start3A_317, %dma_start3A_318] : memref<1000x512xf32, #tpu.memory_space<hbm>> -> memref<1000x512xf32, #tpu.memory_space<hbm>>
      tpu.enqueue_indirect_dma source(%dma_start3A_319 : memref<1000x512xf32, #tpu.memory_space<hbm>>) target(%dma_start3A_313 : memref<1x512xf32, #tpu.memory_space<vmem>>) offsets(%dma_start3A_316 : memref<1xi32, #tpu.memory_space<vmem>>) semaphore(%arg14 : memref<!tpu.dma_semaphore, #tpu.memory_space<semaphore_mem>>)
      %dma_wait3A = arith.constant 5 : i32
      %dma_wait3A_320 = arith.constant 0 : i32
      %dma_wait3A_321 = tpu.memref_slice %arg11[%dma_wait3A, %dma_wait3A_320] : memref<77x512xf32, #tpu.memory_space<vmem>> -> memref<72x512xf32, #tpu.memory_space<vmem>>
      %dma_wait3A_322 = arith.constant 0 : i32
      %dma_wait3A_323 = arith.constant 0 : i32
      %dma_wait3A_324 = tpu.memref_slice %arg3[%dma_wait3A_322, %dma_wait3A_323] : memref<72000x512xf32, #tpu.memory_space<hbm>> -> memref<72000x512xf32, #tpu.memory_space<hbm>>
      tpu.wait_indirect_dma semaphore(%arg13 : memref<!tpu.dma_semaphore, #tpu.memory_space<semaphore_mem>>) src(%dma_wait3A_324 : memref<72000x512xf32, #tpu.memory_space<hbm>>) dst(%dma_wait3A_321 : memref<72x512xf32, #tpu.memory_space<vmem>>)
      %dma_wait3A_325 = arith.constant 0 : i32
      %dma_wait3A_326 = arith.constant 0 : i32
      %dma_wait3A_327 = tpu.memref_slice %arg11[%dma_wait3A_325, %dma_wait3A_326] : memref<77x512xf32, #tpu.memory_space<vmem>> -> memref<1x512xf32, #tpu.memory_space<vmem>>
      %dma_wait3A_328 = arith.constant 0 : i32
      %dma_wait3A_329 = tpu.memref_slice %arg8[%mul3A_254, %dma_wait3A_328] : memref<32x16xi32, #tpu.memory_space<vmem>> -> memref<1x1xi32, #tpu.memory_space<vmem>>
      %dma_wait3A_330 = tpu.memref_squeeze %dma_wait3A_329 : memref<1x1xi32, #tpu.memory_space<vmem>> -> memref<1xi32, #tpu.memory_space<vmem>>
      %dma_wait3A_331 = arith.constant 0 : i32
      %dma_wait3A_332 = arith.constant 0 : i32
      %dma_wait3A_333 = tpu.memref_slice %arg2[%dma_wait3A_331, %dma_wait3A_332] : memref<1000x512xf32, #tpu.memory_space<hbm>> -> memref<1000x512xf32, #tpu.memory_space<hbm>>
      tpu.wait_indirect_dma semaphore(%arg13 : memref<!tpu.dma_semaphore, #tpu.memory_space<semaphore_mem>>) src(%dma_wait3A_333 : memref<1000x512xf32, #tpu.memory_space<hbm>>) dst(%dma_wait3A_327 : memref<1x512xf32, #tpu.memory_space<vmem>>)
      %add3A_334 = arith.addi %mul3A_2, %mul3A_254 : i32
      %mul3A_335 = arith.constant 77 : i32
      %mul3A_336 = arith.muli %add3A_334, %mul3A_335 : i32
      "tpu.region"() ({
        %run_scoped3A = tpu.sem_alloc : memref<!tpu.dma_semaphore, #tpu.memory_space<semaphore_mem>>
        %dma_start3A_362 = arith.constant 0 : i32
        %dma_start3A_363 = tpu.memref_slice %arg6[%mul3A_336, %dma_start3A_362] : memref<77000x512xf32, #tpu.memory_space<hbm>> -> memref<77x512xf32, #tpu.memory_space<hbm>>
        %dma_start3A_364 = arith.constant 0 : i32
        %dma_start3A_365 = tpu.memref_slice %arg6[%mul3A_336, %dma_start3A_364] : memref<77000x512xf32, #tpu.memory_space<hbm>> -> memref<77x512xf32, #tpu.memory_space<hbm>>
        tpu.enqueue_dma source(%arg11 : memref<77x512xf32, #tpu.memory_space<vmem>>) target(%dma_start3A_365 : memref<77x512xf32, #tpu.memory_space<hbm>>) target_semaphore(%run_scoped3A : memref<!tpu.dma_semaphore, #tpu.memory_space<semaphore_mem>>)
        %dma_wait3A_366 = arith.constant 0 : i32
        %dma_wait3A_367 = tpu.memref_slice %arg6[%mul3A_336, %dma_wait3A_366] : memref<77000x512xf32, #tpu.memory_space<hbm>> -> memref<77x512xf32, #tpu.memory_space<hbm>>
        %dma_wait3A_368 = arith.constant 0 : i32
        %dma_wait3A_369 = tpu.memref_slice %arg6[%mul3A_336, %dma_wait3A_368] : memref<77000x512xf32, #tpu.memory_space<hbm>> -> memref<77x512xf32, #tpu.memory_space<hbm>>
        tpu.wait_dma2 semaphore(%run_scoped3A : memref<!tpu.dma_semaphore, #tpu.memory_space<semaphore_mem>>) src(%arg11 : memref<77x512xf32, #tpu.memory_space<vmem>>) dst(%dma_wait3A_369 : memref<77x512xf32, #tpu.memory_space<hbm>>)
        tpu.yield
      }) : () -> ()
      %add3A_337 = arith.constant 2 : i32
      %add3A_338 = arith.addi %mul3A_254, %add3A_337 : i32
      %lt3A = arith.cmpi slt, %add3A_338, %min3A_4 : i32
      %convert_element_type3A_339 = arith.extui %lt3A : i1 to i32
      %cond3A_340 = arith.constant 0 : i32
      %cond3A_341 = arith.cmpi ne, %convert_element_type3A_339, %cond3A_340 : i32
      scf.if %cond3A_341 {
        %add3A_362 = arith.constant 2 : i32
        %add3A_363 = arith.addi %mul3A_254, %add3A_362 : i32
        %broadcast_in_dim3A_364 = vector.broadcast %add3A_363 : i32 to vector<16xi32>
        %gather3A_365 = tpu.vector_load_idx %arg7[%broadcast_in_dim3A_364] : memref<32xi32, #tpu.memory_space<vmem>>[vector<16xi32>], vector<16xi32>,
        %mul3A_366 = arith.constant 72 : i32
        %mul3A_367 = vector.broadcast %mul3A_366 : i32 to vector<16xi32>
        %mul3A_368 = arith.muli %gather3A_365, %mul3A_367 : vector<16xi32>
        %add3A_369 = arith.constant 0 : i32
        %add3A_370 = vector.broadcast %add3A_369 : i32 to vector<16xi32>
        %add3A_371 = arith.addi %add3A_370, %iota3A : vector<16xi32>
        %add3A_372 = arith.addi %mul3A_368, %add3A_371 : vector<16xi32>
        %swap3A_373 = arith.constant 0 : index
        %swap3A_374 = tpu.vector_load %arg9[%swap3A_373] {strides = array<i32>} : memref<72xi32, #tpu.memory_space<vmem>>, vector<16xi32>,
        tpu.vector_store %arg9[%swap3A_373], %add3A_372 {strides = array<i32>} : memref<72xi32, #tpu.memory_space<vmem>>, vector<16xi32>,
        %mul3A_375 = arith.constant 72 : i32
        %mul3A_376 = vector.broadcast %mul3A_375 : i32 to vector<16xi32>
        %mul3A_377 = arith.muli %gather3A_365, %mul3A_376 : vector<16xi32>
        %add3A_378 = arith.constant 16 : i32
        %add3A_379 = vector.broadcast %add3A_378 : i32 to vector<16xi32>
        %add3A_380 = arith.addi %add3A_379, %iota3A : vector<16xi32>
        %add3A_381 = arith.addi %mul3A_377, %add3A_380 : vector<16xi32>
        %swap3A_382 = arith.constant 16 : index
        %swap3A_383 = tpu.vector_load %arg9[%swap3A_382] {strides = array<i32>} : memref<72xi32, #tpu.memory_space<vmem>>, vector<16xi32>,
        tpu.vector_store %arg9[%swap3A_382], %add3A_381 {strides = array<i32>} : memref<72xi32, #tpu.memory_space<vmem>>, vector<16xi32>,
        %mul3A_384 = arith.constant 72 : i32
        %mul3A_385 = vector.broadcast %mul3A_384 : i32 to vector<16xi32>
        %mul3A_386 = arith.muli %gather3A_365, %mul3A_385 : vector<16xi32>
        %add3A_387 = arith.constant 32 : i32
        %add3A_388 = vector.broadcast %add3A_387 : i32 to vector<16xi32>
        %add3A_389 = arith.addi %add3A_388, %iota3A : vector<16xi32>
        %add3A_390 = arith.addi %mul3A_386, %add3A_389 : vector<16xi32>
        %swap3A_391 = arith.constant 32 : index
        %swap3A_392 = tpu.vector_load %arg9[%swap3A_391] {strides = array<i32>} : memref<72xi32, #tpu.memory_space<vmem>>, vector<16xi32>,
        tpu.vector_store %arg9[%swap3A_391], %add3A_390 {strides = array<i32>} : memref<72xi32, #tpu.memory_space<vmem>>, vector<16xi32>,
        %mul3A_393 = arith.constant 72 : i32
        %mul3A_394 = vector.broadcast %mul3A_393 : i32 to vector<16xi32>
        %mul3A_395 = arith.muli %gather3A_365, %mul3A_394 : vector<16xi32>
        %add3A_396 = arith.constant 48 : i32
        %add3A_397 = vector.broadcast %add3A_396 : i32 to vector<16xi32>
        %add3A_398 = arith.addi %add3A_397, %iota3A : vector<16xi32>
        %add3A_399 = arith.addi %mul3A_395, %add3A_398 : vector<16xi32>
        %swap3A_400 = arith.constant 48 : index
        %swap3A_401 = tpu.vector_load %arg9[%swap3A_400] {strides = array<i32>} : memref<72xi32, #tpu.memory_space<vmem>>, vector<16xi32>,
        tpu.vector_store %arg9[%swap3A_400], %add3A_399 {strides = array<i32>} : memref<72xi32, #tpu.memory_space<vmem>>, vector<16xi32>,
        %mul3A_402 = arith.constant 72 : i32
        %mul3A_403 = vector.broadcast %mul3A_402 : i32 to vector<16xi32>
        %mul3A_404 = arith.muli %gather3A_365, %mul3A_403 : vector<16xi32>
        %add3A_405 = arith.constant 56 : i32
        %add3A_406 = vector.broadcast %add3A_405 : i32 to vector<16xi32>
        %add3A_407 = arith.addi %add3A_406, %iota3A : vector<16xi32>
        %add3A_408 = arith.addi %mul3A_404, %add3A_407 : vector<16xi32>
        %swap3A_409 = arith.constant 56 : index
        %swap3A_410 = tpu.vector_load %arg9[%swap3A_409] {strides = array<i32>} : memref<72xi32, #tpu.memory_space<vmem>>, vector<16xi32>,
        tpu.vector_store %arg9[%swap3A_409], %add3A_408 {strides = array<i32>} : memref<72xi32, #tpu.memory_space<vmem>>, vector<16xi32>,
        %dma_start3A_411 = arith.constant 5 : i32
        %dma_start3A_412 = arith.constant 0 : i32
        %dma_start3A_413 = tpu.memref_slice %arg11[%dma_start3A_411, %dma_start3A_412] : memref<77x512xf32, #tpu.memory_space<vmem>> -> memref<72x512xf32, #tpu.memory_space<vmem>>
        %dma_start3A_414 = arith.constant 0 : i32
        %dma_start3A_415 = arith.constant 0 : i32
        %dma_start3A_416 = tpu.memref_slice %arg3[%dma_start3A_414, %dma_start3A_415] : memref<72000x512xf32, #tpu.memory_space<hbm>> -> memref<72000x512xf32, #tpu.memory_space<hbm>>
        tpu.enqueue_indirect_dma source(%dma_start3A_416 : memref<72000x512xf32, #tpu.memory_space<hbm>>) target(%dma_start3A_413 : memref<72x512xf32, #tpu.memory_space<vmem>>) offsets(%arg9 : memref<72xi32, #tpu.memory_space<vmem>>) semaphore(%arg13 : memref<!tpu.dma_semaphore, #tpu.memory_space<semaphore_mem>>)
        %dma_start3A_417 = arith.constant 0 : i32
        %dma_start3A_418 = arith.constant 0 : i32
        %dma_start3A_419 = tpu.memref_slice %arg11[%dma_start3A_417, %dma_start3A_418] : memref<77x512xf32, #tpu.memory_space<vmem>> -> memref<1x512xf32, #tpu.memory_space<vmem>>
        %dma_start3A_420 = arith.constant 0 : i32
        %dma_start3A_421 = tpu.memref_slice %arg8[%add3A_363, %dma_start3A_420] : memref<32x16xi32, #tpu.memory_space<vmem>> -> memref<1x1xi32, #tpu.memory_space<vmem>>
        %dma_start3A_422 = tpu.memref_squeeze %dma_start3A_421 : memref<1x1xi32, #tpu.memory_space<vmem>> -> memref<1xi32, #tpu.memory_space<vmem>>
        %dma_start3A_423 = arith.constant 0 : i32
        %dma_start3A_424 = arith.constant 0 : i32
        %dma_start3A_425 = tpu.memref_slice %arg2[%dma_start3A_423, %dma_start3A_424] : memref<1000x512xf32, #tpu.memory_space<hbm>> -> memref<1000x512xf32, #tpu.memory_space<hbm>>
        tpu.enqueue_indirect_dma source(%dma_start3A_425 : memref<1000x512xf32, #tpu.memory_space<hbm>>) target(%dma_start3A_419 : memref<1x512xf32, #tpu.memory_space<vmem>>) offsets(%dma_start3A_422 : memref<1xi32, #tpu.memory_space<vmem>>) semaphore(%arg13 : memref<!tpu.dma_semaphore, #tpu.memory_space<semaphore_mem>>)
      } else {
      }
      %add3A_342 = arith.constant 1 : i32
      %add3A_343 = arith.addi %mul3A_254, %add3A_342 : i32
      %dma_wait3A_344 = arith.constant 5 : i32
      %dma_wait3A_345 = arith.constant 0 : i32
      %dma_wait3A_346 = tpu.memref_slice %arg12[%dma_wait3A_344, %dma_wait3A_345] : memref<77x512xf32, #tpu.memory_space<vmem>> -> memref<72x512xf32, #tpu.memory_space<vmem>>
      %dma_wait3A_347 = arith.constant 0 : i32
      %dma_wait3A_348 = arith.constant 0 : i32
      %dma_wait3A_349 = tpu.memref_slice %arg3[%dma_wait3A_347, %dma_wait3A_348] : memref<72000x512xf32, #tpu.memory_space<hbm>> -> memref<72000x512xf32, #tpu.memory_space<hbm>>
      tpu.wait_indirect_dma semaphore(%arg14 : memref<!tpu.dma_semaphore, #tpu.memory_space<semaphore_mem>>) src(%dma_wait3A_349 : memref<72000x512xf32, #tpu.memory_space<hbm>>) dst(%dma_wait3A_346 : memref<72x512xf32, #tpu.memory_space<vmem>>)
      %dma_wait3A_350 = arith.constant 0 : i32
      %dma_wait3A_351 = arith.constant 0 : i32
      %dma_wait3A_352 = tpu.memref_slice %arg12[%dma_wait3A_350, %dma_wait3A_351] : memref<77x512xf32, #tpu.memory_space<vmem>> -> memref<1x512xf32, #tpu.memory_space<vmem>>
      %dma_wait3A_353 = arith.constant 0 : i32
      %dma_wait3A_354 = tpu.memref_slice %arg8[%add3A_343, %dma_wait3A_353] : memref<32x16xi32, #tpu.memory_space<vmem>> -> memref<1x1xi32, #tpu.memory_space<vmem>>
      %dma_wait3A_355 = tpu.memref_squeeze %dma_wait3A_354 : memref<1x1xi32, #tpu.memory_space<vmem>> -> memref<1xi32, #tpu.memory_space<vmem>>
      %dma_wait3A_356 = arith.constant 0 : i32
      %dma_wait3A_357 = arith.constant 0 : i32
      %dma_wait3A_358 = tpu.memref_slice %arg2[%dma_wait3A_356, %dma_wait3A_357] : memref<1000x512xf32, #tpu.memory_space<hbm>> -> memref<1000x512xf32, #tpu.memory_space<hbm>>
      tpu.wait_indirect_dma semaphore(%arg14 : memref<!tpu.dma_semaphore, #tpu.memory_space<semaphore_mem>>) src(%dma_wait3A_358 : memref<1000x512xf32, #tpu.memory_space<hbm>>) dst(%dma_wait3A_352 : memref<1x512xf32, #tpu.memory_space<vmem>>)
      %add3A_359 = arith.addi %mul3A_2, %add3A_343 : i32
      %mul3A_360 = arith.constant 77 : i32
      %mul3A_361 = arith.muli %add3A_359, %mul3A_360 : i32
      "tpu.region"() ({
        %run_scoped3A = tpu.sem_alloc : memref<!tpu.dma_semaphore, #tpu.memory_space<semaphore_mem>>
        %dma_start3A_362 = arith.constant 0 : i32
        %dma_start3A_363 = tpu.memref_slice %arg6[%mul3A_361, %dma_start3A_362] : memref<77000x512xf32, #tpu.memory_space<hbm>> -> memref<77x512xf32, #tpu.memory_space<hbm>>
        %dma_start3A_364 = arith.constant 0 : i32
        %dma_start3A_365 = tpu.memref_slice %arg6[%mul3A_361, %dma_start3A_364] : memref<77000x512xf32, #tpu.memory_space<hbm>> -> memref<77x512xf32, #tpu.memory_space<hbm>>
        tpu.enqueue_dma source(%arg12 : memref<77x512xf32, #tpu.memory_space<vmem>>) target(%dma_start3A_365 : memref<77x512xf32, #tpu.memory_space<hbm>>) target_semaphore(%run_scoped3A : memref<!tpu.dma_semaphore, #tpu.memory_space<semaphore_mem>>)
        %dma_wait3A_366 = arith.constant 0 : i32
        %dma_wait3A_367 = tpu.memref_slice %arg6[%mul3A_361, %dma_wait3A_366] : memref<77000x512xf32, #tpu.memory_space<hbm>> -> memref<77x512xf32, #tpu.memory_space<hbm>>
        %dma_wait3A_368 = arith.constant 0 : i32
        %dma_wait3A_369 = tpu.memref_slice %arg6[%mul3A_361, %dma_wait3A_368] : memref<77000x512xf32, #tpu.memory_space<hbm>> -> memref<77x512xf32, #tpu.memory_space<hbm>>
        tpu.wait_dma2 semaphore(%run_scoped3A : memref<!tpu.dma_semaphore, #tpu.memory_space<semaphore_mem>>) src(%arg12 : memref<77x512xf32, #tpu.memory_space<vmem>>) dst(%dma_wait3A_369 : memref<77x512xf32, #tpu.memory_space<hbm>>)
        tpu.yield
      }) : () -> ()
    }
    return
  }
}

</mosaic_0001>

<sc_bundles>
// kernel: kernel.3.cloned.1.call-start
scs
__scs_entry_jumppad:
0x0: {  	(pc) =	sbr.rel $0x88, $3  }
0x1: {  	(tag) =	ssettag $0x0;
	lr =	simm.s32 $0x1  }
0x2: {  	[smem:$0x3F9D] =	sst lr;
	_ =	strace $0xD0000000  }
0x3: {  	_ = 	snop  }
0x4: {  	_ = 	snop  }
0x5: {  	_ = 	snop  }
0x6: {  	_ = 	snop  }
0x7: {  	_ = 	snop  }
__scs_overlays_trampoline_lowered:
0x8: {  	[smem:$0x3FAC] =	sst s0  }
0x9: {  	[smem:$0x3FAD] =	sst s1  }
0xa: {  	[smem:$0x3FAE] =	sst s2  }
0xb: {  	[smem:$0x3FAF] =	sst s3  }
0xc: {  	[smem:$0x3FB0] =	sst s4  }
0xd: {  	[smem:$0x3FB1] =	sst s5  }
0xe: {  	[smem:$0x3FB2] =	sst s6  }
0xf: {  	[smem:$0x3FB3] =	sst s7  }
0x10: {  	[smem:$0x3FB4] =	sst s8  }
0x11: {  	[smem:$0x3FB5] =	sst s9;
	s0 =	simm.s32 @!p0 $0x0  }
0x12: {  	s1 =	sld [smem:$0x3F9B];
	s0 =	simm.s32 @p0 $0x1  }
0x13: {  	[smem:$0x3FB6] =	sst s0;
	s0 =	simm.s32 @!p1 $0x0  }
0x14: {  	s2 =	sld [smem:$0x3F9A];
	s0 =	simm.s32 @p1 $0x1  }
0x15: {  	[smem:$0x3FB7] =	sst s0;
	s0 =	simm.s32 @!p2 $0x0  }
0x16: {  	s3 =	sld [smem:$0x3FDB];
	s0 =	simm.s32 @p2 $0x1  }
0x17: {  	s4 =	simm.s32 $0x1BF5;
	[smem:$0x3FB9] =	sst s0  }
0x18: {  	s0 =	sld [smem:$0x3F9C];
	_ =	swait.ge [sflag:s4], $0x0  }
0x19: {  	s7 =	sld [smem:$0x3F9D]  }
0x1a: {  	s8 =	sadd.s32 $0xFFFFE003, lr  }
0x1b: {  	s9 =	sadd.s32 $0xFFFFFEF7, lr;
	s5 =	simm.s32 $0xFFFFFFFF;
	p2 =	slt.u32 s8, $0xFFFFF086  }
0x1c: {  	p1 =	slt.u32 s9, $0xF7A;
	s5 =	simm.s32 @!p2 $0x0  }
0x1d: {  	s5 =	simm.s32 @p1 $0x1;
	p0 =	seq.s32 s7, s2  }
0x1e: {  	s7 =	smul.u32 @!p0 $0xF7A, s2;
	p2 =	seq.s32 @!p0 s5, $0x0  }
0x1f: {  	s9 =	smul.u32 $0xF7A, s1;
	s8 =	simm.s32 @!p0 $0x1BF5;
	p2 =	por !p2, p0  }
0x20: {  	[sflag:s8] =	ssyncset.s32 @!p0 $0xFFFFF086;
	s6 =	sadd.s32 @!p0 s3, s7;
	s7 =	simm.s32 @!p0 $0x108  }
0x21: {  	s3 =	sadd.s32 s3, s9;
	s6 =	sadd.s32 @!p0 $0x88, s6;
	s7 =	simm.s32 @p2 $0x1082  }
0x22: {  	[simem:s7], [sflag:s8] =	dma.local @!p0 [hbm:s6], $0xF7A  }
0x23: {  	s9 =	sor.u32 $0xD0000000, s2;
	s6 =	simm.s32 $0x108;
	_ =	swait.ge @!p0 [sflag:s8], $0x0  }
0x24: {  	s3 =	sadd.s32 $0x88, s3;
	s6 =	simm.s32 @!p1 $0x1082;
	[sflag:s4] =	ssyncset.s32 $0xFFFFF086  }
0x25: {  	[simem:s6], [sflag:s4] =	dma.local [hbm:s3], $0xF7A  }
0x26: {  	[smem:$0x3F9D] =	sst s1;
	(tag) =	ssettag s2;
	_ =	strace s9  }
0x27: {  	s1 =	sld [smem:$0x3FAD]  }
0x28: {  	s2 =	sld [smem:$0x3FAE]  }
0x29: {  	s4 =	sld [smem:$0x3FB0]  }
0x2a: {  	p0 =	seq.s32 s5, $0x0;
	s5 =	sld [smem:$0x3FB1]  }
0x2b: {  	s6 =	sld [smem:$0x3FB2]  }
0x2c: {  	s7 =	sld [smem:$0x3FB3]  }
0x2d: {  	s3 =	simm.s32 $0x108;
	s8 =	sld [smem:$0x3FB4]  }
0x2e: {  	s3 =	simm.s32 @!p0 $0x1082;
	s9 =	sld [smem:$0x3FB5]  }
0x2f: {  	lr =	sadd.s32 s0, s3;
	s0 =	sld [smem:$0x3FAC]  }
0x30: {  	s3 =	sld [smem:$0x3FAF]  }
0x31: {  	[smem:$0x3FB8] =	sst s10  }
0x32: {  	s10 =	sld [smem:$0x3FB6];
	_ =	sdelay $0x3  }
0x33: {  	p0 =	seq.s32 s10, $0x1;
	s10 =	sld [smem:$0x3FB8];
	_ =	sdelay $0x3  }
0x34: {  	[smem:$0x3FB8] =	sst s10  }
0x35: {  	s10 =	sld [smem:$0x3FB7];
	_ =	sdelay $0x3  }
0x36: {  	p1 =	seq.s32 s10, $0x1;
	s10 =	sld [smem:$0x3FB8];
	_ =	sdelay $0x3  }
0x37: {  	[smem:$0x3FB8] =	sst s10  }
0x38: {  	s10 =	sld [smem:$0x3FB9]  }
0x39: {  	_ = 	snop;
	(pc) =	sbr.ind lr, $3  }
0x3a: {  	_ = 	snop  }
0x3b: {  	_ = 	snop  }
0x3c: {  	p2 =	seq.s32 s10, $0x1;
	s10 =	sld [smem:$0x3FB8]  }
0x3d: {  	_ =	shalt  }
0x3e: {  	_ =	shalt  }
0x3f: {  	_ =	shalt  }
0x40: {  	_ =	shalt  }
0x41: {  	_ =	shalt  }
0x42: {  	_ =	shalt  }
0x43: {  	_ =	shalt  }
0x44: {  	_ =	shalt  }
0x45: {  	_ =	shalt  }
0x46: {  	_ =	shalt  }
0x47: {  	_ =	shalt  }
0x48: {  	_ =	shalt  }
0x49: {  	_ =	shalt  }
0x4a: {  	_ =	shalt  }
0x4b: {  	_ =	shalt  }
0x4c: {  	_ =	shalt  }
0x4d: {  	_ =	shalt  }
0x4e: {  	_ =	shalt  }
0x4f: {  	_ =	shalt  }
0x50: {  	_ =	shalt  }
0x51: {  	_ =	shalt  }
0x52: {  	_ =	shalt  }
0x53: {  	_ =	shalt  }
0x54: {  	_ =	shalt  }
0x55: {  	_ =	shalt  }
0x56: {  	_ =	shalt  }
0x57: {  	_ =	shalt  }
0x58: {  	_ =	shalt  }
0x59: {  	_ =	shalt  }
0x5a: {  	_ =	shalt  }
0x5b: {  	_ =	shalt  }
0x5c: {  	_ =	shalt  }
0x5d: {  	_ =	shalt  }
0x5e: {  	_ =	shalt  }
0x5f: {  	_ =	shalt  }
0x60: {  	_ =	shalt  }
0x61: {  	_ =	shalt  }
0x62: {  	_ =	shalt  }
0x63: {  	_ =	shalt  }
0x64: {  	_ =	shalt  }
0x65: {  	_ =	shalt  }
0x66: {  	_ =	shalt  }
0x67: {  	_ =	shalt  }
0x68: {  	_ =	shalt  }
0x69: {  	_ =	shalt  }
0x6a: {  	_ =	shalt  }
0x6b: {  	_ =	shalt  }
0x6c: {  	_ =	shalt  }
0x6d: {  	_ =	shalt  }
0x6e: {  	_ =	shalt  }
0x6f: {  	_ =	shalt  }
0x70: {  	_ =	shalt  }
0x71: {  	_ =	shalt  }
0x72: {  	_ =	shalt  }
0x73: {  	_ =	shalt  }
0x74: {  	_ =	shalt  }
0x75: {  	_ =	shalt  }
0x76: {  	_ =	shalt  }
0x77: {  	_ =	shalt  }
0x78: {  	_ =	shalt  }
0x79: {  	_ =	shalt  }
0x7a: {  	_ =	shalt  }
0x7b: {  	_ =	shalt  }
0x7c: {  	_ =	shalt  }
0x7d: {  	_ =	shalt  }
0x7e: {  	_ =	shalt  }
0x7f: {  	_ =	shalt  }
0x80: {  	_ =	shalt  }
0x81: {  	_ =	shalt  }
0x82: {  	_ =	shalt  }
0x83: {  	_ =	shalt  }
0x84: {  	_ =	shalt  }
0x85: {  	_ =	shalt  }
0x86: {  	_ =	shalt  }
0x87: {  	_ =	shalt  }
.Lfunc_end0:
.L_simem_size_0:
called_computation.2_lowered:
.L_overlay_start_0:
0x88: {  	s2 =	sld [smem:$0x3FD9]  }
0x89: {  	s3 =	sld [smem:$0x3FFE];
	_ =	sdelay $0x1  }
0x8a: {  	s1 =	srdreg.scid  }
0x8b: {  	s0 =	sand.u32 $0x1, s1  }
0x8c: {  	s17 =	sshll.u32 s0, $0xA;
	s2 =	sadd.s32 s3, s2  }
0x8d: {  	s2 =	sadd.s32 s2, s17  }
0x8e: {  	[smem:$0x3FC4] =	sst s2  }
0x8f: {  	_ = 	snop  }
0x90: {  	s2 =	sld [smem:$0x3FC9]  }
0x91: {  	s18 =	sld [smem:$0x3FD0];
	(tm) =	ssettm $0x1  }
0x92: {  	s4 =	sld [smem:$0x3FFB];
	_ =	sdelay $0x3  }
0x93: {  	_ =	strace s4  }
0x94: {  	s4 =	sld [smem:$0x3FFC];
	_ =	sdelay $0x3  }
0x95: {  	_ =	strace s4  }
0x96: {  	s4 =	sld [smem:$0x3FFD];
	_ =	sdelay $0x3  }
0x97: {  	_ =	strace s4  }
0x98: {  	_ =	strace $0x8FFFFFFF  }
0x99: {  	s19 =	sld [smem:$0x3FDB];
	_ =	sdelay $0x1  }
0x9a: {  	s5 =	simm.s32 $_scs_section_size  }
0x9b: {  	s6 =	simm.s32 $_size__tile_overlayer_lowered;
	s7 =	simm.s32 $_tile_overlayer_lowered  }
0x9c: {  	s22 =	simm.s32 $0x1BFF;
	s21 =	sshll.u32 s7, $0x1;
	s4 =	sadd.s32 s5, s19  }
0x9d: {  	s8 =	simm.s32 $0x0;
	s20 =	sshll.u32 s6, $0x1;
	s6 =	sadd.s32 s21, s4  }
0x9e: {  	[timem:s8], [sflag:s22] =	dma.local [hbm:s6], s20  }
0x9f: {  	_ =	swait.ge [sflag:s22], s20  }
0xa0: {  	s5 =	ssub.s32 $0x0, s20;
	[sflag:s22] =	ssyncset.done $0x0  }
0xa1: {  	[sflag:s22] =	ssyncadd.s32 s5;
	_ =	sdelay $0x1  }
0xa2: {  	s23 =	simm.s32 $0x1B8B  }
0xa3: {  	_ =	swait.ge [sflag:s23], $0x1  }
0xa4: {  	[sflag:s23] =	ssyncset.done $0x0  }
0xa5: {  	s25 =	simm.s32 $0x1B8E;
	s24 =	sld [smem:$0x3FFE];
	[sflag:s23] =	ssyncadd.s32 $0xFFFFFFFF  }
0xa6: {  	s26 =	simm.s32 $execute0_lowered;
	[smem:$0x3FD2] =	sst s25  }
0xa7: {  	s6 =	sshll.u32 s26, $0x1;
	_ =	strace $0x80000049;
	[dreg:$0x1] =	wrdreg $0xFFFFFFFF  }
0xa8: {  	s28 =	simm.s32 $_size_execute0_lowered;
	s4 =	sadd.s32 s4, s6;
	[dreg:$0x0] =	wrdreg $0x0  }
0xa9: {  	s6 =	sshll.u32 s28, $0x1;
	[dreg:$0x2] =	wrdreg s4  }
0xaa: {  	[dreg:$0x3] =	wrdreg s6  }
0xab: {  	[dreg:$0x4] =	wrdreg $0xC0  }
0xac: {  	_ =	task [dreg:s8], $0x5FFFF  }
0xad: {  	[dreg:$0x1] =	wrdreg $0xFFFFFFFF  }
0xae: {  	[dreg:$0x0] =	wrdreg $0x60  }
0xaf: {  	[dreg:$0x2] =	wrdreg s2  }
0xb0: {  	[dreg:$0x3] =	wrdreg s24  }
0xb1: {  	[dreg:$0x4] =	wrdreg s18  }
0xb2: {  	[dreg:$0x5] =	wrdreg $0x9  }
0xb3: {  	_ =	task.clear_ibuf [dreg:s8], $0x6FFFF;
	_ =	strace $0x90000049  }
0xb4: {  	s29 =	simm.s32 $0x9;
	_ =	strace $0x8000004B  }
0xb5: {  	_ =	swait.ge [sflag:s29], $0x1  }
0xb6: {  	[sflag:s29] =	ssyncadd.s32 $0xFFFFFFFF  }
0xb7: {  	_ =	strace $0x9000004B  }
0xb8: {  	_ =	sfence  }
0xb9: {  	s30 =	sld [smem:$0x0];
	_ =	sdelay $0x2  }
0xba: {  	s31 =	sshll.u32 s1, $0xD;
	s1 =	sshrl.u32 s1, $0x2  }
0xbb: {  	s3 =	sand.u32 $0x4000, s31;
	s1 =	sadd.s32 s1, s30  }
0xbc: {  	s0 =	sor.u32 s3, s0;
	s1 =	sshll.u32 s1, $0x11  }
0xbd: {  	s0 =	sor.u32 s1, s0  }
0xbe: {  	s0 =	sadd.s32 $0x8F2B, s0  }
0xbf: {  	[sflag:s0] =	ssyncadd.remote.s32 $0x1  }
0xc0: {  	_ =	sfence.sel $0xFFFF  }
0xc1: {  	[dreg:$0x0] =	wrdreg $0xFFFFFFFF;
	(pc) =	sbr.abs _section_cstart, $3  }
0xc2: {  	[dreg:$0x1] =	wrdreg $0xFFFFFFFF  }
0xc3: {  	_ =	task.clear_ibuf [dreg:s8], $0x2FFFF;
	_ =	strace $0x9FFFFFFF  }
0xc4: {  	(tm) =	ssettm $0x7FFFFFFF  }
0xc5: {  	_ =	shalt  }
tec
execute0_lowered:
.L_overlay_start_1:
0x0: {  	(tag) =	ssettag $0x1  }
0x1: {  	s1 =	rddreg [dreg:$0x0]  }
0x2: {  	s6 =	rddreg [dreg:$0x1]  }
0x3: {  	s11 =	rddreg [dreg:$0x2]  }
0x4: {  	s0 =	rddreg [dreg:$0x3]  }
0x5: {  	s3 =	simm.s32 $0x0;
	s4 =	srdreg.scid;
	s2 =	stileid.u32  }
0x6: {  	s29 =	simm.s32 $0x48;
	s30 =	simm.s32 $0x268;
	s31 =	simm.s32 $0xA6B0  }
0x7: {  	s16 =	simm.s32 $0x9CB0;
	s17 =	simm.s32 $0x2B0;
	s18 =	simm.s32 $0x2  }
0x8: {  	v0 =	vimm.s32 $0x1;
	v1 =	vimm.s32 $0x2;
	v2 =	vimm.s32 $0x3;
	s19 =	simm.s32 $0x0;
	[smem:$0x7FF] =	sst s3;
	s7 =	sand.u32 $0x1, s4  }
0x9: {  	v3 =	vimm.s32 $0x4;
	v4 =	vimm.s32 $0x5;
	v5 =	vimm.s32 $0x6;
	s4 =	sadd.s32 $0x1000, s6;
	s8 =	sshll.u32 s2, $0x6;
	s23 =	smul.u32 $0x4D000, s2  }
0xa: {  	v6 =	vimm.s32 $0x7;
	v7 =	vimm.s32 $0x8;
	v8 =	vimm.s32 $0x9;
	s5 =	sadd.s32 $0x466000, s6;
	s14 =	smul.u32 $0x268000, s2;
	_ =	strace $0x8000004A  }
0xb: {  	v9 =	vimm.s32 $0xA;
	v10 =	vimm.s32 $0xB;
	v11 =	vimm.s32 $0xC;
	s9 =	sshll.u32 s7, $0x5;
	s13 =	smul.u32 $0x26800, s7;
	[dreg:$0x6] =	wrdreg s29  }
0xc: {  	v12 =	vimm.s32 $0xD;
	v13 =	vimm.s32 $0xE;
	v14 =	vimm.s32 $0xF;
	s12 =	ssub.s32 $0x2, s7;
	s15 =	smul.u32 $0x134000, s7;
	[dreg:$0x5] =	wrdreg s30  }
0xd: {  	v15 =	vimm.s32 $0x10;
	v16 =	vimm.s32 $0x11;
	v17 =	vimm.s32 $0x12;
	[dreg:$0x4] =	wrdreg s31;
	s8 =	sor.u32 s9, s8;
	s24 =	sshrl.u32 s12, $0x1  }
0xe: {  	v18 =	vimm.s32 $0x13;
	v19 =	vimm.s32 $0x14;
	v20 =	vimm.s32 $0x15;
	s9 =	sadd.s32 s23, s11;
	s10 =	sshrl.u32 s8, $0x3;
	s12 =	ssub.s32 s12, s24  }
0xf: {  	v21 =	vimm.s32 $0x16;
	v22 =	vimm.s32 $0x17;
	v23 =	vimm.s32 $0x18;
	s25 =	sxor.u32 $0x3E8, s8;
	s26 =	sadd.s32 s13, s9;
	s28 =	sadd.s32 s15, s14  }
0x10: {  	v24 =	vimm.s32 $0x19;
	v25 =	vimm.s32 $0x1A;
	v26 =	vimm.s32 $0x1B;
	s13 =	simm.s32 $0x4B0;
	s14 =	simm.s32 $0x9EB0;
	s15 =	simm.s32 $0x1  }
0x11: {  	v27 =	vimm.s32 $0x1C;
	v28 =	vimm.s32 $0x1D;
	v29 =	vlaneseq.u32;
	s10 =	sadd.s32 s10, s6;
	s6 =	smin.u32 s25, $0x20;
	s8 =	smax.u32 s12, $0x1  }
0x12: {  	v30 =	vimm.s32 $0x1E;
	v31 =	vimm.s32 $0x1F;
	v32 =	vor.u32 $0x10, v29;
	s12 =	sshrl.u32 s28, $0x3;
	s7 =	sadd.s32 $0x466200, s10;
	s9 =	sshll.u32 s6, $0x6  }
0x13: {  	v33 =	vor.u32 $0x20, v29;
	v34 =	vor.u32 $0x30, v29;
	v35 =	vadd.s32 $0x38, v29;
	s10 =	sadd.s32 $0x1340, s26;
	s11 =	sadd.s32 s12, s11;
	s12 =	simm.s32 $0x3  }
.LBB2_1:
0x14: {  	[tilespmem:s3], [sflag:$0x3] =	stream.linear.gather [hbm4b:s7+s3], $0x20, $0x38;
	[tilespmem:$0x136B0] =	vst v63  }
0x15: {  	_ =	swait.ge [sflag:s12], $0x20  }
0x16: {  	[sflag:s12] =	ssyncset.done $0x0  }
0x17: {  	[sflag:s12] =	ssyncadd.s32 $0xFFFFFFE0  }
0x18: {  	[tilespmem:s13], [sflag:$0x3] =	stream.linear.gather [hbm4b:s5+s3], $0x800, $0x38;
	[tilespmem:$0x136B0] =	vst v63  }
0x19: {  	_ =	swait.ge [sflag:s12], $0x800  }
0x1a: {  	[sflag:s12] =	ssyncset.done $0x0  }
0x1b: {  	[sflag:s12] =	ssyncadd.s32 $0xFFFFF800  }
0x1c: {  	[tilespmem:s14], [sflag:$0x3] =	stream.linear.gather [hbm4b:s5+s3], $0x800, $0x38;
	[tilespmem:$0x136B0] =	vst v63  }
0x1d: {  	_ =	swait.ge [sflag:s12], $0x800  }
0x1e: {  	[sflag:s12] =	ssyncset.done $0x0  }
0x1f: {  	[sflag:s12] =	ssyncadd.s32 $0xFFFFF800  }
0x20: {  	v36 =	vld.msk [tilespmem:s3+$0x0], $0xffff;
	_ =	sdelay $0x4  }
0x21: {  	[tilespmem:$0x20] =	vst v36  }
0x22: {  	v36 =	vld.idx.msk [tilespmem:v0+s3+$0x0], $0xffff;
	_ =	sdelay $0x4  }
0x23: {  	[tilespmem:$0x30] =	vst v36  }
0x24: {  	v36 =	vld.idx.msk [tilespmem:v1+s3+$0x0], $0xffff;
	_ =	sdelay $0x4  }
0x25: {  	[tilespmem:$0x40] =	vst v36  }
0x26: {  	v36 =	vld.idx.msk [tilespmem:v2+s3+$0x0], $0xffff;
	_ =	sdelay $0x4  }
0x27: {  	[tilespmem:$0x50] =	vst v36  }
0x28: {  	v36 =	vld.idx.msk [tilespmem:v3+s3+$0x0], $0xffff;
	_ =	sdelay $0x4  }
0x29: {  	[tilespmem:$0x60] =	vst v36  }
0x2a: {  	v36 =	vld.idx.msk [tilespmem:v4+s3+$0x0], $0xffff;
	_ =	sdelay $0x4  }
0x2b: {  	[tilespmem:$0x70] =	vst v36  }
0x2c: {  	v36 =	vld.idx.msk [tilespmem:v5+s3+$0x0], $0xffff;
	_ =	sdelay $0x4  }
0x2d: {  	[tilespmem:$0x80] =	vst v36  }
0x2e: {  	v36 =	vld.idx.msk [tilespmem:v6+s3+$0x0], $0xffff;
	_ =	sdelay $0x4  }
0x2f: {  	[tilespmem:$0x90] =	vst v36  }
0x30: {  	v36 =	vld.idx.msk [tilespmem:v7+s3+$0x0], $0xffff;
	_ =	sdelay $0x4  }
0x31: {  	[tilespmem:$0xA0] =	vst v36  }
0x32: {  	v36 =	vld.idx.msk [tilespmem:v8+s3+$0x0], $0xffff;
	_ =	sdelay $0x4  }
0x33: {  	[tilespmem:$0xB0] =	vst v36  }
0x34: {  	v36 =	vld.idx.msk [tilespmem:v9+s3+$0x0], $0xffff;
	_ =	sdelay $0x4  }
0x35: {  	[tilespmem:$0xC0] =	vst v36  }
0x36: {  	v36 =	vld.idx.msk [tilespmem:v10+s3+$0x0], $0xffff;
	_ =	sdelay $0x4  }
0x37: {  	[tilespmem:$0xD0] =	vst v36  }
0x38: {  	v36 =	vld.idx.msk [tilespmem:v11+s3+$0x0], $0xffff;
	_ =	sdelay $0x4  }
0x39: {  	[tilespmem:$0xE0] =	vst v36  }
0x3a: {  	v36 =	vld.idx.msk [tilespmem:v12+s3+$0x0], $0xffff;
	_ =	sdelay $0x4  }
0x3b: {  	[tilespmem:$0xF0] =	vst v36  }
0x3c: {  	v36 =	vld.idx.msk [tilespmem:v13+s3+$0x0], $0xffff;
	_ =	sdelay $0x4  }
0x3d: {  	[tilespmem:$0x100] =	vst v36  }
0x3e: {  	v36 =	vld.idx.msk [tilespmem:v14+s3+$0x0], $0xffff;
	_ =	sdelay $0x4  }
0x3f: {  	[tilespmem:$0x110] =	vst v36  }
0x40: {  	v36 =	vld.idx.msk [tilespmem:v15+s3+$0x0], $0xffff;
	_ =	sdelay $0x4  }
0x41: {  	[tilespmem:$0x120] =	vst v36  }
0x42: {  	v36 =	vld.idx.msk [tilespmem:v16+s3+$0x0], $0xffff;
	_ =	sdelay $0x4  }
0x43: {  	[tilespmem:$0x130] =	vst v36  }
0x44: {  	v36 =	vld.idx.msk [tilespmem:v17+s3+$0x0], $0xffff;
	_ =	sdelay $0x4  }
0x45: {  	[tilespmem:$0x140] =	vst v36  }
0x46: {  	v36 =	vld.idx.msk [tilespmem:v18+s3+$0x0], $0xffff;
	_ =	sdelay $0x4  }
0x47: {  	[tilespmem:$0x150] =	vst v36  }
0x48: {  	v36 =	vld.idx.msk [tilespmem:v19+s3+$0x0], $0xffff;
	_ =	sdelay $0x4  }
0x49: {  	[tilespmem:$0x160] =	vst v36  }
0x4a: {  	v36 =	vld.idx.msk [tilespmem:v20+s3+$0x0], $0xffff;
	_ =	sdelay $0x4  }
0x4b: {  	[tilespmem:$0x170] =	vst v36  }
0x4c: {  	v36 =	vld.idx.msk [tilespmem:v21+s3+$0x0], $0xffff;
	_ =	sdelay $0x4  }
0x4d: {  	[tilespmem:$0x180] =	vst v36  }
0x4e: {  	v36 =	vld.idx.msk [tilespmem:v22+s3+$0x0], $0xffff;
	_ =	sdelay $0x4  }
0x4f: {  	[tilespmem:$0x190] =	vst v36  }
0x50: {  	v36 =	vld.idx.msk [tilespmem:v23+s3+$0x0], $0xffff;
	_ =	sdelay $0x4  }
0x51: {  	[tilespmem:$0x1A0] =	vst v36  }
0x52: {  	v36 =	vld.idx.msk [tilespmem:v24+s3+$0x0], $0xffff;
	_ =	sdelay $0x4  }
0x53: {  	[tilespmem:$0x1B0] =	vst v36  }
0x54: {  	v36 =	vld.idx.msk [tilespmem:v25+s3+$0x0], $0xffff;
	_ =	sdelay $0x4  }
0x55: {  	[tilespmem:$0x1C0] =	vst v36  }
0x56: {  	v36 =	vld.idx.msk [tilespmem:v26+s3+$0x0], $0xffff;
	_ =	sdelay $0x4  }
0x57: {  	[tilespmem:$0x1D0] =	vst v36  }
0x58: {  	v36 =	vld.idx.msk [tilespmem:v27+s3+$0x0], $0xffff;
	_ =	sdelay $0x4  }
0x59: {  	[tilespmem:$0x1E0] =	vst v36  }
0x5a: {  	v36 =	vld.idx.msk [tilespmem:v28+s3+$0x0], $0xffff;
	_ =	sdelay $0x4  }
0x5b: {  	[tilespmem:$0x1F0] =	vst v36  }
0x5c: {  	v36 =	vld.idx.msk [tilespmem:v30+s3+$0x0], $0xffff;
	_ =	sdelay $0x4  }
0x5d: {  	[tilespmem:$0x200] =	vst v36  }
0x5e: {  	s20 =	simm.s32 $0x0;
	p0 =	por $0x0, $0x0;
	v36 =	vld.idx.msk [tilespmem:v31+s3+$0x0], $0xffff  }
0x5f: {  	v37 =	vmov @!p0 s20;
	_ =	sdelay $0x3  }
0x60: {  	s20 =	simm.s32 @!p0 $0x0;
	[tilespmem:$0x210] =	vst v36  }
0x61: {  	v36 =	vld.idx.msk @!p0 [tilespmem:v37+s20+$0x0], $0xffff;
	_ =	sdelay $0x4  }
0x62: {  	v37 =	vlaneseq.u32 @!p0;
	v36 =	vmul.u32 @!p0 $0x48, v36  }
0x63: {  	v38 =	vor.u32 @!p0 $0x20, v37  }
0x64: {  	v39 =	vor.u32 @!p0 $0x10, v37;
	v38 =	vadd.s32 @!p0 v38, v36  }
0x65: {  	v40 =	vor.u32 @!p0 $0x30, v37;
	v39 =	vadd.s32 @!p0 v39, v36;
	[tilespmem:$0x240] =	vst @!p0 v38  }
0x66: {  	v38 =	vadd.s32 @!p0 v40, v36;
	[tilespmem:$0x230] =	vst @!p0 v39  }
0x67: {  	v39 =	vadd.s32 @!p0 $0x38, v37;
	v37 =	vadd.s32 @!p0 v37, v36;
	[tilespmem:$0x250] =	vst @!p0 v38  }
0x68: {  	v59 =	vmov s15;
	v36 =	vadd.s32 @!p0 v39, v36;
	[tilespmem:$0x220] =	vst @!p0 v37  }
0x69: {  	s21 =	simm.s32 @!p0 $0x220;
	s22 =	simm.s32 @!p0 $0xCB0;
	s20 =	simm.s32 @!p0 $0x48;
	[tilespmem:$0x258] =	vst @!p0 v36  }
0x6a: {  	[tilespmem:s22], [sflag:$0x1] =	stream.indirect.gather @!p0 [hbm4b:s4+s20], $0x200, s21, s20, $0xb8;
	[tilespmem:$0x136B0] =	vst v63  }
0x6b: {  	s20 =	simm.s32 @!p0 $0x1;
	s21 =	simm.s32 @!p0 $0x20;
	s22 =	simm.s32 @!p0 $0x2B0  }
0x6c: {  	[tilespmem:s22], [sflag:$0x1] =	stream.indirect.gather @!p0 [hbm4b:s1+s20], $0x200, s21, s20, $0xb8;
	[tilespmem:$0x136B0] =	vst v63  }
0x6d: {  	v36 =	vld.idx.msk [tilespmem:v59+s3+$0x0], $0xffff;
	_ =	sdelay $0x4  }
0x6e: {  	v36 =	vmul.u32 $0x48, v36;
	_ =	sdelay $0x1  }
0x6f: {  	v60 =	vadd.s32 v34, v36  }
0x70: {  	v61 =	vadd.s32 v33, v36;
	[tilespmem:$0x298] =	vst v60  }
0x71: {  	v62 =	vadd.s32 v32, v36;
	[tilespmem:$0x288] =	vst v61  }
0x72: {  	s28 =	rddreg [dreg:$0x6];
	v63 =	vadd.s32 v35, v36;
	v36 =	vadd.s32 v29, v36;
	[tilespmem:$0x278] =	vst v62  }
0x73: {  	s29 =	rddreg [dreg:$0x5];
	[tilespmem:$0x268] =	vst v36  }
0x74: {  	s30 =	rddreg [dreg:$0x4];
	[tilespmem:$0x2A0] =	vst v63  }
0x75: {  	[tilespmem:s30], [sflag:$0x2] =	stream.indirect.gather [hbm4b:s4+s28], $0x200, s29, s28, $0xb8;
	[tilespmem:$0x136B0] =	vst v63  }
0x76: {  	s31 =	simm.s32 $0x30  }
0x77: {  	[tilespmem:s16], [sflag:$0x2] =	stream.indirect.gather [hbm4b:s1+s15], $0x200, s31, s15, $0xb8;
	[tilespmem:$0x136B0] =	vst v63  }
0x78: {  	_ =	swait.ge [sflag:s15], $0x9000  }
0x79: {  	s20 =	simm.s32 $0x2;
	p0 =	sle.u32 s6, $0x2;
	[sflag:s15] =	ssyncset.done $0x0  }
0x7a: {  	v36 =	vmov @!p0 s20;
	[sflag:s15] =	ssyncadd.s32 $0xFFFF7000  }
0x7b: {  	v36 =	vand.u32 @!p0 $0xFFFFFFFE, v36;
	_ =	swait.ge [sflag:s15], $0x200  }
0x7c: {  	v36 =	vbroadcast @!p0 v36, $0x0;
	[sflag:s15] =	ssyncset.done $0x0  }
0x7d: {  	[sflag:s15] =	ssyncadd.s32 $0xFFFFFE00  }
0x7e: {  	[hbm4b:s11+s3] =	stream.linear.scatter [tilespmem:s17], [sflag:$0x3], $0x9A00, $0x38;
	[tilespmem:$0x136B0] =	vst v63  }
0x7f: {  	_ =	swait.ge [sflag:s12], $0x9A00  }
0x80: {  	[sflag:s12] =	ssyncset.done $0x0  }
0x81: {  	s20 =	simm.s32 @!p0 $0x0;
	[sflag:s12] =	ssyncadd.s32 $0xFFFF6600  }
0x82: {  	v36 =	vld.idx.msk @!p0 [tilespmem:v36+s20+$0x0], $0xffff;
	_ =	sdelay $0x4  }
0x83: {  	v37 =	vlaneseq.u32 @!p0;
	v36 =	vmul.u32 @!p0 $0x48, v36  }
0x84: {  	v38 =	vor.u32 @!p0 $0x10, v37  }
0x85: {  	v38 =	vadd.s32 @!p0 v38, v36  }
0x86: {  	v39 =	vor.u32 @!p0 $0x30, v37;
	v40 =	vadd.s32 @!p0 v37, v36;
	[tilespmem:$0x230] =	vst @!p0 v38  }
0x87: {  	v38 =	vadd.s32 @!p0 v39, v36;
	v39 =	vadd.s32 @!p0 $0x38, v37;
	[tilespmem:$0x220] =	vst @!p0 v40  }
0x88: {  	v37 =	vor.u32 @!p0 $0x20, v37;
	v39 =	vadd.s32 @!p0 v39, v36;
	[tilespmem:$0x250] =	vst @!p0 v38  }
0x89: {  	s21 =	simm.s32 @!p0 $0x48;
	v36 =	vadd.s32 @!p0 v37, v36;
	[tilespmem:$0x258] =	vst @!p0 v39  }
0x8a: {  	s22 =	simm.s32 @!p0 $0x220;
	s23 =	simm.s32 @!p0 $0xCB0;
	s20 =	sadd.s32 $0xFFFFFF80, s9;
	[tilespmem:$0x240] =	vst @!p0 v36  }
0x8b: {  	[tilespmem:s23], [sflag:$0x1] =	stream.indirect.gather @!p0 [hbm4b:s4+s21], $0x200, s22, s21, $0xb8;
	[tilespmem:$0x136B0] =	vst v63  }
0x8c: {  	s21 =	simm.s32 @!p0 $0x40;
	s22 =	simm.s32 @!p0 $0x1;
	s23 =	simm.s32 @!p0 $0x2B0  }
0x8d: {  	[tilespmem:s23], [sflag:$0x1] =	stream.indirect.gather @!p0 [hbm4b:s1+s22], $0x200, s21, s22, $0xb8;
	[tilespmem:$0x136B0] =	vst v63  }
0x8e: {  	p0 =	sne.s32 s20, $0x0  }
.Ltmp0:
0x8f: {  	_ = 	snop;
	(pc) =	sbr.rel @!p0 .LBB2_3-.Ltmp0, $3  }
0x90: {  	_ =	sdelay $0x1  }
0x91: {  	s24 =	sadd.s32 $0x2680, s11;
	s25 =	simm.s32 $0x1  }
0x92: {  	s22 =	simm.s32 $0x50;
	s23 =	sadd.s32 $0x2680, s10;
	s21 =	smov.u32 s10  }
.LBB2_2:
0x93: {  	_ =	swait.ge [sflag:s18], $0x9000  }
0x94: {  	[sflag:s18] =	ssyncset.done $0x0  }
0x95: {  	[sflag:s18] =	ssyncadd.s32 $0xFFFF7000  }
0x96: {  	s25 =	sadd.s32 $0x2, s25;
	_ =	swait.ge [sflag:s18], $0x200  }
0x97: {  	s28 =	sadd.s32 $0xFFFFFFFF, s25;
	p1 =	sne.s32 s25, $0x1;
	[sflag:s18] =	ssyncset.done $0x0  }
0x98: {  	v36 =	vmov @!p1 s28;
	[sflag:s18] =	ssyncadd.s32 $0xFFFFFE00  }
0x99: {  	[hbm4b:s21+s3] =	stream.linear.scatter [tilespmem:s16], [sflag:$0x3], $0x9A00, $0x38;
	[tilespmem:$0x136B0] =	vst v63  }
0x9a: {  	_ =	swait.ge [sflag:s12], $0x9A00  }
0x9b: {  	[sflag:s12] =	ssyncset.done $0x0  }
0x9c: {  	s28 =	simm.s32 @!p1 $0x0;
	[sflag:s12] =	ssyncadd.s32 $0xFFFF6600  }
0x9d: {  	v36 =	vld.idx.msk @!p1 [tilespmem:v36+s28+$0x0], $0xffff;
	_ =	sdelay $0x4  }
0x9e: {  	v37 =	vlaneseq.u32 @!p1;
	v36 =	vmul.u32 @!p1 $0x48, v36  }
0x9f: {  	v39 =	vor.u32 @!p1 $0x20, v37  }
0xa0: {  	v38 =	vor.u32 @!p1 $0x10, v37;
	v39 =	vadd.s32 @!p1 v39, v36  }
0xa1: {  	v38 =	vadd.s32 @!p1 v38, v36;
	[tilespmem:$0x240] =	vst @!p1 v39  }
0xa2: {  	v40 =	vor.u32 @!p1 $0x30, v37;
	v41 =	vadd.s32 @!p1 $0x38, v37;
	v37 =	vadd.s32 @!p1 v37, v36;
	[tilespmem:$0x230] =	vst @!p1 v38  }
0xa3: {  	v39 =	vadd.s32 @!p1 v40, v36;
	[tilespmem:$0x220] =	vst @!p1 v37  }
0xa4: {  	v59 =	vmov s25;
	v36 =	vadd.s32 @!p1 v41, v36;
	[tilespmem:$0x250] =	vst @!p1 v39  }
0xa5: {  	s29 =	simm.s32 @!p1 $0x220;
	s30 =	simm.s32 @!p1 $0xCB0;
	s28 =	simm.s32 @!p1 $0x48;
	[tilespmem:$0x258] =	vst @!p1 v36  }
0xa6: {  	[tilespmem:s30], [sflag:$0x1] =	stream.indirect.gather @!p1 [hbm4b:s4+s28], $0x200, s29, s28, $0xb8;
	[tilespmem:$0x136B0] =	vst v63  }
0xa7: {  	s28 =	simm.s32 @!p1 $0x1;
	s29 =	simm.s32 @!p1 $0x20;
	s30 =	simm.s32 @!p1 $0x2B0  }
0xa8: {  	[tilespmem:s30], [sflag:$0x1] =	stream.indirect.gather @!p1 [hbm4b:s1+s28], $0x200, s29, s28, $0xb8;
	[tilespmem:$0x136B0] =	vst v63  }
0xa9: {  	v36 =	vld.idx.msk [tilespmem:v59+s3+$0x0], $0xffff;
	_ =	sdelay $0x4  }
0xaa: {  	v36 =	vmul.u32 $0x48, v36;
	_ =	sdelay $0x1  }
0xab: {  	v61 =	vadd.s32 v34, v36  }
0xac: {  	v60 =	vadd.s32 v33, v36;
	[tilespmem:$0x298] =	vst v61  }
0xad: {  	v62 =	vadd.s32 v32, v36;
	[tilespmem:$0x288] =	vst v60  }
0xae: {  	s31 =	rddreg [dreg:$0x4];
	v63 =	vadd.s32 v35, v36;
	v36 =	vadd.s32 v29, v36;
	[tilespmem:$0x278] =	vst v62  }
0xaf: {  	s28 =	rddreg [dreg:$0x6];
	[tilespmem:$0x268] =	vst v36  }
0xb0: {  	s29 =	rddreg [dreg:$0x5];
	[tilespmem:$0x2A0] =	vst v63  }
0xb1: {  	[tilespmem:s31], [sflag:$0x2] =	stream.indirect.gather [hbm4b:s4+s28], $0x200, s29, s28, $0xb8;
	[tilespmem:$0x136B0] =	vst v63  }
0xb2: {  	_ = 	snop  }
0xb3: {  	[tilespmem:s16], [sflag:$0x2] =	stream.indirect.gather [hbm4b:s1+s15], $0x200, s22, s15, $0xb8;
	[tilespmem:$0x136B0] =	vst v63  }
0xb4: {  	s28 =	sadd.s32 $0x1, s25;
	_ =	swait.ge [sflag:s15], $0x9000  }
0xb5: {  	p1 =	sge.u32 s28, s6;
	[sflag:s15] =	ssyncset.done $0x0  }
0xb6: {  	v36 =	vmov @!p1 s28;
	[sflag:s15] =	ssyncadd.s32 $0xFFFF7000  }
0xb7: {  	v36 =	vand.u32 @!p1 $0xFFFFFFFE, v36;
	_ =	swait.ge [sflag:s15], $0x200  }
0xb8: {  	v36 =	vbroadcast @!p1 v36, $0x0;
	[sflag:s15] =	ssyncset.done $0x0  }
0xb9: {  	[sflag:s15] =	ssyncadd.s32 $0xFFFFFE00  }
0xba: {  	[hbm4b:s24+s3] =	stream.linear.scatter [tilespmem:s17], [sflag:$0x3], $0x9A00, $0x38;
	[tilespmem:$0x136B0] =	vst v63  }
0xbb: {  	_ =	swait.ge [sflag:s12], $0x9A00  }
0xbc: {  	[sflag:s12] =	ssyncset.done $0x0  }
0xbd: {  	s28 =	simm.s32 @!p1 $0x0;
	[sflag:s12] =	ssyncadd.s32 $0xFFFF6600  }
0xbe: {  	v36 =	vld.idx.msk @!p1 [tilespmem:v36+s28+$0x0], $0xffff;
	_ =	sdelay $0x4  }
0xbf: {  	v37 =	vlaneseq.u32 @!p1;
	v36 =	vmul.u32 @!p1 $0x48, v36  }
0xc0: {  	v38 =	vor.u32 @!p1 $0x10, v37  }
0xc1: {  	v38 =	vadd.s32 @!p1 v38, v36  }
0xc2: {  	v40 =	vor.u32 @!p1 $0x30, v37;
	v41 =	vadd.s32 @!p1 v37, v36;
	[tilespmem:$0x230] =	vst @!p1 v38  }
0xc3: {  	s20 =	sadd.s32 $0xFFFFFF80, s20;
	s26 =	smov.u32 s22;
	v39 =	vor.u32 @!p1 $0x20, v37;
	v40 =	vadd.s32 @!p1 v40, v36;
	v37 =	vadd.s32 @!p1 $0x38, v37;
	[tilespmem:$0x220] =	vst @!p1 v41  }
0xc4: {  	p0 =	sne.s32 s20, $0x0;
	s21 =	smov.u32 s23;
	s23 =	sadd.s32 $0x2680, s23;
	v38 =	vadd.s32 @!p1 v39, v36;
	v36 =	vadd.s32 @!p1 v37, v36;
	[tilespmem:$0x250] =	vst @!p1 v40  }
.Ltmp1:
0xc5: {  	s22 =	sadd.s32 $0x20, s22;
	s29 =	simm.s32 @!p1 $0x220;
	[tilespmem:$0x258] =	vst @!p1 v36;
	(pc) =	sbr.rel @p0 .LBB2_2-.Ltmp1, $4  }
0xc6: {  	s30 =	simm.s32 @!p1 $0xCB0;
	s26 =	sadd.s32 @!p1 $0x10, s26;
	s28 =	simm.s32 @!p1 $0x48;
	[tilespmem:$0x240] =	vst @!p1 v38  }
0xc7: {  	[tilespmem:s30], [sflag:$0x1] =	stream.indirect.gather @!p1 [hbm4b:s4+s28], $0x200, s29, s28, $0xb8;
	[tilespmem:$0x136B0] =	vst v63  }
0xc8: {  	s24 =	sadd.s32 $0x2680, s24;
	s28 =	simm.s32 @!p1 $0x1;
	s29 =	simm.s32 @!p1 $0x2B0  }
0xc9: {  	[tilespmem:s29], [sflag:$0x1] =	stream.indirect.gather @!p1 [hbm4b:s1+s28], $0x200, s26, s28, $0xb8;
	[tilespmem:$0x136B0] =	vst v63  }
.LBB2_3:
0xca: {  	_ =	swait.ge [sflag:s18], $0x9000  }
0xcb: {  	[sflag:s18] =	ssyncset.done $0x0  }
0xcc: {  	[sflag:s18] =	ssyncadd.s32 $0xFFFF7000  }
0xcd: {  	s19 =	sadd.s32 $0x1, s19;
	_ =	swait.ge [sflag:s18], $0x200  }
0xce: {  	p0 =	sne.s32 s19, s8;
	[sflag:s18] =	ssyncset.done $0x0  }
.Ltmp2:
0xcf: {  	[sflag:s18] =	ssyncadd.s32 $0xFFFFFE00;
	(pc) =	sbr.rel @p0 .LBB2_1-.Ltmp2, $4  }
0xd0: {  	[hbm4b:s21+s3] =	stream.linear.scatter [tilespmem:s16], [sflag:$0x3], $0x9A00, $0x38;
	[tilespmem:$0x136B0] =	vst v63  }
0xd1: {  	_ =	swait.ge [sflag:s12], $0x9A00  }
0xd2: {  	[sflag:s12] =	ssyncset.done $0x0  }
0xd3: {  	[sflag:s12] =	ssyncadd.s32 $0xFFFF6600  }
0xd4: {  	_ =	sfence.sel $0x180000  }
0xd5: {  	[bflag:$0x0] =	sbarrier.arrive $0xFFFF  }
0xd6: {  	p0 =	sne.s32 s2, $0x0;
	_ =	strace $0x9000004A  }
0xd7: {  	s0 =	sadd.s32 @!p0 $0x100000, s0;
	[bflag:$0x2] =	sbarrier.arrive $0xFFFF  }
0xd8: {  	[sflag:s0] =	ssyncadd.tile.s32 @!p0 $0x1;
	_ =	shalt  }
.Lfunc_end2:
_tile_overlayer_lowered:
.L_overlay_start_2:
0xd9: {  	(tag) =	ssettag $0x2  }
0xda: {  	s0 =	rddreg [dreg:$0x0];
	s2 =	stileid.u32  }
0xdb: {  	s1 =	rddreg [dreg:$0x1];
	p0 =	sne.s32 s2, $0x0  }
0xdc: {  	s3 =	rddreg [dreg:$0x2];
	[bflag:$0x3] =	sbarrier.arrive $0xFFFF;
	s2 =	simm.s32 @!p0 $0x1C03  }
0xdd: {  	[timem:s3], [sflag:s2] =	dma.local @!p0 [hbm:s0], s1  }
0xde: {  	s0 =	simm.s32 @!p0 $0x3  }
0xdf: {  	_ =	swait.ge @!p0 [sflag:s0], s1  }
0xe0: {  	s1 =	ssub.s32 @!p0 $0x0, s1;
	[sflag:s0] =	ssyncset.done @!p0 $0x0  }
0xe1: {  	[sflag:s0] =	ssyncadd.s32 @!p0 s1  }
0xe2: {  	[bflag:$0x3] =	sbarrier.arrive $0xFFFF  }
0xe3: {  	_ =	shalt  }

// kernel: sparse-core-data-format-call.1.cloned.1.call-start
scs
called_computation.1_lowered:
.L_overlay_start_0:
0x0: {  	s2 =	sld [smem:$0x3FD9]  }
0x1: {  	s3 =	sld [smem:$0x3FFE];
	_ =	sdelay $0x1  }
0x2: {  	s1 =	srdreg.scid  }
0x3: {  	s0 =	sand.u32 $0x1, s1  }
0x4: {  	s18 =	sshll.u32 s0, $0xA;
	s2 =	sadd.s32 s3, s2  }
0x5: {  	s2 =	sadd.s32 s2, s18  }
0x6: {  	[smem:$0x3FC4] =	sst s2  }
0x7: {  	_ = 	snop  }
0x8: {  	s2 =	sld [smem:$0x3FC8];
	(tm) =	ssettm $0x1  }
0x9: {  	s19 =	sld [smem:$0x3FFB];
	_ =	sdelay $0x3  }
0xa: {  	_ =	strace s19  }
0xb: {  	s3 =	sld [smem:$0x3FFC];
	_ =	sdelay $0x3  }
0xc: {  	_ =	strace s3  }
0xd: {  	s3 =	sld [smem:$0x3FFD];
	_ =	sdelay $0x3  }
0xe: {  	_ =	strace s3  }
0xf: {  	_ =	strace $0x8FFFFFFF  }
0x10: {  	s20 =	sld [smem:$0x3FDB];
	_ =	sdelay $0x1  }
0x11: {  	s4 =	simm.s32 $_scs_section_size  }
0x12: {  	s5 =	simm.s32 $_size__tile_overlayer_lowered;
	s6 =	simm.s32 $_tile_overlayer_lowered  }
0x13: {  	s23 =	simm.s32 $0x1BFF;
	s22 =	sshll.u32 s6, $0x1;
	s3 =	sadd.s32 s4, s20  }
0x14: {  	s7 =	simm.s32 $0x0;
	s21 =	sshll.u32 s5, $0x1;
	s5 =	sadd.s32 s22, s3  }
0x15: {  	[timem:s7], [sflag:s23] =	dma.local [hbm:s5], s21  }
0x16: {  	_ =	swait.ge [sflag:s23], s21  }
0x17: {  	s4 =	ssub.s32 $0x0, s21;
	[sflag:s23] =	ssyncset.done $0x0  }
0x18: {  	[sflag:s23] =	ssyncadd.s32 s4;
	_ =	sdelay $0x1  }
0x19: {  	s24 =	simm.s32 $0x1B8B  }
0x1a: {  	_ =	swait.ge [sflag:s24], $0x1  }
0x1b: {  	[sflag:s24] =	ssyncset.done $0x0  }
0x1c: {  	s26 =	simm.s32 $0x1B8E;
	s25 =	sld [smem:$0x3FFE];
	[sflag:s24] =	ssyncadd.s32 $0xFFFFFFFF  }
0x1d: {  	s27 =	simm.s32 $execute0_lowered;
	[smem:$0x3FD2] =	sst s26  }
0x1e: {  	s5 =	sshll.u32 s27, $0x1;
	_ =	strace $0x80000046;
	[dreg:$0x1] =	wrdreg $0xFFFFFFFF  }
0x1f: {  	s28 =	simm.s32 $_size_execute0_lowered;
	s3 =	sadd.s32 s3, s5;
	[dreg:$0x0] =	wrdreg $0x0  }
0x20: {  	s5 =	sshll.u32 s28, $0x1;
	[dreg:$0x2] =	wrdreg s3  }
0x21: {  	[dreg:$0x3] =	wrdreg s5  }
0x22: {  	[dreg:$0x4] =	wrdreg $0xC0  }
0x23: {  	_ =	task [dreg:s7], $0x5FFFF  }
0x24: {  	[dreg:$0x1] =	wrdreg $0xFFFFFFFF  }
0x25: {  	[dreg:$0x0] =	wrdreg $0x60  }
0x26: {  	[dreg:$0x2] =	wrdreg s2  }
0x27: {  	[dreg:$0x3] =	wrdreg s25  }
0x28: {  	[dreg:$0x4] =	wrdreg $0x9  }
0x29: {  	_ =	task.clear_ibuf [dreg:s7], $0x5FFFF;
	_ =	strace $0x90000046  }
0x2a: {  	s29 =	simm.s32 $0x9;
	_ =	strace $0x80000048  }
0x2b: {  	_ =	swait.ge [sflag:s29], $0x1  }
0x2c: {  	[sflag:s29] =	ssyncadd.s32 $0xFFFFFFFF  }
0x2d: {  	_ =	strace $0x90000048  }
0x2e: {  	_ =	sfence  }
0x2f: {  	s30 =	sld [smem:$0x0];
	_ =	sdelay $0x2  }
0x30: {  	s31 =	sshll.u32 s1, $0xD;
	s1 =	sshrl.u32 s1, $0x2  }
0x31: {  	s3 =	sand.u32 $0x4000, s31;
	s1 =	sadd.s32 s1, s30  }
0x32: {  	s0 =	sor.u32 s3, s0;
	s1 =	sshll.u32 s1, $0x11  }
0x33: {  	s0 =	sor.u32 s1, s0  }
0x34: {  	s0 =	sadd.s32 $0x8F2B, s0  }
0x35: {  	[sflag:s0] =	ssyncadd.remote.s32 $0x1  }
0x36: {  	_ =	sfence.sel $0xFFFF  }
0x37: {  	[dreg:$0x0] =	wrdreg $0xFFFFFFFF;
	(pc) =	sbr.abs _section_cstart, $3  }
0x38: {  	[dreg:$0x1] =	wrdreg $0xFFFFFFFF  }
0x39: {  	_ =	task.clear_ibuf [dreg:s7], $0x2FFFF;
	_ =	strace $0x9FFFFFFF  }
0x3a: {  	(tm) =	ssettm $0x7FFFFFFF  }
0x3b: {  	_ =	shalt  }
tec
execute0_lowered:
.L_overlay_start_1:
0x0: {  	(tag) =	ssettag $0x1  }
0x1: {  	s0 =	srdreg.scid  }
0x2: {  	s1 =	sshll.u32 s0, $0x4  }
0x3: {  	s2 =	rddreg [dreg:$0x0];
	s0 =	stileid.u32;
	s1 =	sand.u32 $0x10, s1  }
0x4: {  	s4 =	rddreg [dreg:$0x1];
	s7 =	simm.s32 $0x1;
	s1 =	sor.u32 s0, s1  }
0x5: {  	s8 =	simm.s32 $0x2;
	s9 =	simm.s32 $0x0;
	s3 =	sshll.u32 s1, $0x2  }
0x6: {  	s12 =	simm.s32 $0x0;
	s11 =	simm.s32 $0x0;
	s6 =	ssub.s32 $0x2328, s3  }
.Ltmp0:
0x7: {  	s4 =	sadd.s32 $0x1000, s4;
	s5 =	sand.u32 $0x7C, s6;
	(pc) =	sbr.rel .LBB1_1-.Ltmp0, $4  }
0x8: {  	s1 =	rddreg [dreg:$0x2];
	_ =	strace $0x80000047;
	p0 =	sne.s32 s5, $0x0  }
0x9: {  	s6 =	sshrl.u32 s6, $0x7;
	s5 =	simm.s32 $0x1;
	s7 =	simm.s32 @!p0 $0x0  }
0xa: {  	s10 =	smov.u32 s3;
	[sflag:s5] =	ssyncpa.u1 $0x0;
	s6 =	sadd.s32 s7, s6  }
0xb: {  	[sflag:s8] =	ssyncpa.u1 $0x0;
	s8 =	simm.s32 $0x0;
	s7 =	sadd.s32 $0x1, s6  }
.LBB1_9:
0xc: {  	s14 =	sadd.s32 $0x80, s10  }
0xd: {  	p1 =	sgt.s32 s14, $0x2327  }
0xe: {  	s14 =	smov.u32 @p1 s3;
	p1 =	sne.s32 s11, s7  }
.Ltmp1:
0xf: {  	p0 =	slt.u32 s11, $0x2;
	(pc) =	sbr.rel @!p1 .LBB1_10-.Ltmp1, $4  }
0x10: {  	s13 =	simm.s32 @!p0 $0x2  }
0x11: {  	s15 =	sadd.s32 $0x1, s11;
	_ =	swait.ge @!p0 [sflag:s13], $0x4000  }
0x12: {  	s12 =	smov.u32 s10;
	s9 =	sadd.s32 $0x4000, s9;
	[sflag:s13] =	ssyncset.done @!p0 $0x0  }
0x13: {  	s11 =	smov.u32 s15;
	s10 =	smov.u32 s14;
	[sflag:s13] =	ssyncadd.s32 @!p0 $0xFFFFC000  }
.LBB1_1:
0x14: {  	p0 =	sge.u32 s11, s6  }
0x15: {  	s13 =	sxor.u32 @!p0 $0xFFFFFFFF, s11  }
0x16: {  	s31 =	sadd.s32 $0xFFFFFFFF, s11;
	s14 =	sshll.u32 @!p0 s10, $0x9;
	s13 =	sshll.u32 @!p0 s13, $0xE  }
0x17: {  	s15 =	simm.s32 @!p0 $0x0;
	s14 =	sadd.s32 @!p0 s2, s14;
	s13 =	sand.u32 @!p0 $0x4000, s13  }
0x18: {  	[tilespmem:s13], [sflag:$0x1] =	stream.linear.gather @!p0 [hbm4b:s14+s15], $0x4000, $0x38;
	[tilespmem:$0x10000] =	vst v63  }
0x19: {  	p0 =	sge.u32 s31, s6  }
.Ltmp2:
0x1a: {  	_ = 	snop;
	(pc) =	sbr.rel @p0 .LBB1_9-.Ltmp2, $1  }
0x1b: {  	_ =	sdelay $0x3  }
0x1c: {  	s14 =	sand.u32 $0x4000, s9  }
0x1d: {  	_ =	swait.ge [sflag:s5], $0x4000;
	s15 =	sshll.u32 s11, $0xE;
	s16 =	simm.s32 $0x0  }
0x1e: {  	s13 =	sor.u32 $0x40, s14;
	[sflag:s5] =	ssyncset.done $0x0;
	s15 =	sand.u32 $0x4000, s15  }
0x1f: {  	s14 =	sor.u32 $0x8040, s14;
	[sflag:s5] =	ssyncadd.s32 $0xFFFFC000;
	s15 =	sor.u32 $0x8000, s15  }
.LBB1_3:
0x20: {  	s17 =	smov.u32 s14;
	s18 =	smov.u32 s13;
	s19 =	simm.s32 $0x0  }
.LBB1_4:
0x21: {  	v0 =	vmov s17;
	v2 =	vld [tilespmem:s18+$0x30]  }
0x22: {  	v4 =	vld [tilespmem:s18+$0xFFFFFFD0]  }
0x23: {  	v6 =	vld [tilespmem:s18+$0xFFFFFFE0]  }
0x24: {  	v7 =	vld [tilespmem:s18+$0xFFFFFFF0]  }
0x25: {  	s20 =	simm.s32 $0x0;
	v1 =	vld [tilespmem:s18+$0x0]  }
0x26: {  	v3 =	vld [tilespmem:s18+$0x10];
	[tilespmem:v0+s20+$0x30 ss:$0x1] =	vst.idx.msk $0xffff, v2  }
0x27: {  	v5 =	vld [tilespmem:s18+$0x20];
	[tilespmem:v0+s20+$0xFFFFFFD0 ss:$0x1] =	vst.idx.msk $0xffff, v4  }
0x28: {  	s21 =	sadd.s32 $0x80, s18;
	v2 =	vld [tilespmem:s18+$0xFFFFFFC0];
	[tilespmem:v0+s20+$0xFFFFFFE0 ss:$0x1] =	vst.idx.msk $0xffff, v6  }
0x29: {  	s22 =	simm.s32 $0x800;
	s23 =	simm.s32 $0x1000;
	v4 =	vld [tilespmem:s21+$0x30];
	[tilespmem:v0+s20+$0xFFFFFFF0 ss:$0x1] =	vst.idx.msk $0xffff, v7  }
.LBB1_5:
0x2a: {  	p0 =	sne.s32 s23, $0x3800;
	v6 =	vld [tilespmem:s21+$0xFFFFFFD0];
	[tilespmem:v0+s20+$0x0 ss:$0x1] =	vst.idx.msk $0xffff, v1  }
0x2b: {  	v7 =	vld [tilespmem:s21+$0xFFFFFFE0];
	[tilespmem:v0+s20+$0x10 ss:$0x1] =	vst.idx.msk $0xffff, v3  }
0x2c: {  	v8 =	vld [tilespmem:s21+$0xFFFFFFF0];
	[tilespmem:v0+s20+$0x20 ss:$0x1] =	vst.idx.msk $0xffff, v5  }
.Ltmp3:
0x2d: {  	v1 =	vld [tilespmem:s21+$0x0];
	[tilespmem:v0+s20+$0xFFFFFFC0 ss:$0x1] =	vst.idx.msk $0xffff, v2;
	s20 =	sshra.s32 s22, $0x2;
	s22 =	smov.u32 s23;
	(pc) =	sbr.rel @p0 .LBB1_5-.Ltmp3, $4  }
0x2e: {  	v3 =	vld [tilespmem:s21+$0x10];
	[tilespmem:v0+s20+$0x30 ss:$0x1] =	vst.idx.msk $0xffff, v4  }
0x2f: {  	[tilespmem:v0+s20+$0xFFFFFFD0 ss:$0x1] =	vst.idx.msk $0xffff, v6;
	v5 =	vld [tilespmem:s21+$0x20]  }
0x30: {  	v2 =	vld [tilespmem:s21+$0xFFFFFFC0];
	[tilespmem:v0+s20+$0xFFFFFFE0 ss:$0x1] =	vst.idx.msk $0xffff, v7;
	s21 =	sadd.s32 $0x80, s21  }
0x31: {  	s23 =	sadd.s32 $0x800, s23;
	v4 =	vld [tilespmem:s21+$0x30];
	[tilespmem:v0+s20+$0xFFFFFFF0 ss:$0x1] =	vst.idx.msk $0xffff, v8  }
0x32: {  	_ =	sdelay $0x3  }
0x33: {  	v6 =	vld [tilespmem:s21+$0xFFFFFFD0];
	[tilespmem:v0+s20+$0x0 ss:$0x1] =	vst.idx.msk $0xffff, v1  }
0x34: {  	v58 =	vld [tilespmem:s21+$0xFFFFFFE0];
	[tilespmem:v0+s20+$0x10 ss:$0x1] =	vst.idx.msk $0xffff, v3  }
0x35: {  	v59 =	vld [tilespmem:s21+$0xFFFFFFF0];
	[tilespmem:v0+s20+$0x20 ss:$0x1] =	vst.idx.msk $0xffff, v5  }
0x36: {  	s22 =	sshra.s32 s22, $0x2;
	v60 =	vld [tilespmem:s21+$0x0];
	[tilespmem:v0+s20+$0xFFFFFFC0 ss:$0x1] =	vst.idx.msk $0xffff, v2  }
0x37: {  	v61 =	vld [tilespmem:s21+$0x10];
	[tilespmem:v0+s22+$0x30 ss:$0x1] =	vst.idx.msk $0xffff, v4  }
0x38: {  	v62 =	vld [tilespmem:s21+$0x20];
	s19 =	sadd.s32 $0x1, s19;
	[tilespmem:v0+s22+$0xFFFFFFD0 ss:$0x1] =	vst.idx.msk $0xffff, v6  }
0x39: {  	v63 =	vld [tilespmem:s21+$0xFFFFFFC0];
	p0 =	sne.s32 s19, $0x4;
	[tilespmem:v0+s22+$0xFFFFFFE0 ss:$0x1] =	vst.idx.msk $0xffff, v58  }
.Ltmp4:
0x3a: {  	[tilespmem:v0+s22+$0xFFFFFFF0 ss:$0x1] =	vst.idx.msk $0xffff, v59;
	(pc) =	sbr.rel @p0 .LBB1_4-.Ltmp4, $4  }
0x3b: {  	[tilespmem:v0+s22+$0x0 ss:$0x1] =	vst.idx.msk $0xffff, v60  }
0x3c: {  	[tilespmem:v0+s22+$0x10 ss:$0x1] =	vst.idx.msk $0xffff, v61  }
0x3d: {  	[tilespmem:v0+s22+$0x20 ss:$0x1] =	vst.idx.msk $0xffff, v62  }
0x3e: {  	s18 =	sadd.s32 $0x400, s18;
	s17 =	sadd.s32 $0x80, s17;
	[tilespmem:v0+s22+$0xFFFFFFC0 ss:$0x1] =	vst.idx.msk $0xffff, v63  }
0x3f: {  	s16 =	sadd.s32 $0x1, s16  }
0x40: {  	p0 =	sne.s32 s16, $0x4  }
.Ltmp5:
0x41: {  	_ = 	snop;
	(pc) =	sbr.rel @p0 .LBB1_3-.Ltmp5, $2  }
0x42: {  	_ =	sdelay $0x2  }
0x43: {  	s13 =	sadd.s32 $0x1000, s13;
	s14 =	sadd.s32 $0x1000, s14  }
.Ltmp6:
0x44: {  	(pc) =	sbr.rel .LBB1_9-.Ltmp6, $4  }
0x45: {  	_ = 	snop  }
0x46: {  	s12 =	sshll.u32 s12, $0x9  }
0x47: {  	s12 =	sadd.s32 s4, s12  }
0x48: {  	[hbm4b:s12+s8] =	stream.linear.scatter [tilespmem:s15], [sflag:$0x2], $0x4000, $0x38;
	[tilespmem:$0x10000] =	vst v63  }
.LBB1_10:
0x49: {  	_ =	sfence.sel $0x180000  }
0x4a: {  	s2 =	simm.s32 $0x1;
	[bflag:$0x0] =	sbarrier.arrive $0xFFFF  }
0x4b: {  	s31 =	simm.s32 $0x2;
	[sflag:s2] =	ssyncpa.u1 $0x1  }
0x4c: {  	[sflag:s31] =	ssyncpa.u1 $0x1  }
0x4d: {  	p0 =	sne.s32 s0, $0x0;
	_ =	strace $0x90000047  }
0x4e: {  	s0 =	sadd.s32 @!p0 $0x100000, s1;
	[bflag:$0x2] =	sbarrier.arrive $0xFFFF  }
0x4f: {  	[sflag:s0] =	ssyncadd.tile.s32 @!p0 $0x1;
	_ =	shalt  }
.Lfunc_end1:
_tile_overlayer_lowered:
.L_overlay_start_2:
0x50: {  	(tag) =	ssettag $0x2  }
0x51: {  	s0 =	rddreg [dreg:$0x0];
	s2 =	stileid.u32  }
0x52: {  	s1 =	rddreg [dreg:$0x1];
	p0 =	sne.s32 s2, $0x0  }
0x53: {  	s3 =	rddreg [dreg:$0x2];
	[bflag:$0x3] =	sbarrier.arrive $0xFFFF;
	s2 =	simm.s32 @!p0 $0x1C01  }
0x54: {  	[timem:s3], [sflag:s2] =	dma.local @!p0 [hbm:s0], s1  }
0x55: {  	s0 =	simm.s32 @!p0 $0x1  }
0x56: {  	_ =	swait.ge @!p0 [sflag:s0], s1  }
0x57: {  	s1 =	ssub.s32 @!p0 $0x0, s1;
	[sflag:s0] =	ssyncset.done @!p0 $0x0  }
0x58: {  	[sflag:s0] =	ssyncadd.s32 @!p0 s1  }
0x59: {  	[bflag:$0x3] =	sbarrier.arrive $0xFFFF  }
0x5a: {  	_ =	shalt  }

// kernel: sparse-core-data-format-call.cloned.1.call-start
scs
called_computation_lowered:
.L_overlay_start_0:
0x0: {  	s2 =	sld [smem:$0x3FD9]  }
0x1: {  	s3 =	sld [smem:$0x3FFE];
	_ =	sdelay $0x1  }
0x2: {  	s1 =	srdreg.scid  }
0x3: {  	s0 =	sand.u32 $0x1, s1  }
0x4: {  	s18 =	sshll.u32 s0, $0xA;
	s2 =	sadd.s32 s3, s2  }
0x5: {  	s2 =	sadd.s32 s2, s18  }
0x6: {  	[smem:$0x3FC4] =	sst s2  }
0x7: {  	_ = 	snop  }
0x8: {  	s2 =	sld [smem:$0x3FD0];
	(tm) =	ssettm $0x1  }
0x9: {  	s19 =	sld [smem:$0x3FFB];
	_ =	sdelay $0x3  }
0xa: {  	_ =	strace s19  }
0xb: {  	s3 =	sld [smem:$0x3FFC];
	_ =	sdelay $0x3  }
0xc: {  	_ =	strace s3  }
0xd: {  	s3 =	sld [smem:$0x3FFD];
	_ =	sdelay $0x3  }
0xe: {  	_ =	strace s3  }
0xf: {  	_ =	strace $0x8FFFFFFF  }
0x10: {  	s20 =	sld [smem:$0x3FDB];
	_ =	sdelay $0x1  }
0x11: {  	s4 =	simm.s32 $_scs_section_size  }
0x12: {  	s5 =	simm.s32 $_size__tile_overlayer_lowered;
	s6 =	simm.s32 $_tile_overlayer_lowered  }
0x13: {  	s23 =	simm.s32 $0x1BFF;
	s22 =	sshll.u32 s6, $0x1;
	s3 =	sadd.s32 s4, s20  }
0x14: {  	s7 =	simm.s32 $0x0;
	s21 =	sshll.u32 s5, $0x1;
	s5 =	sadd.s32 s22, s3  }
0x15: {  	[timem:s7], [sflag:s23] =	dma.local [hbm:s5], s21  }
0x16: {  	_ =	swait.ge [sflag:s23], s21  }
0x17: {  	s4 =	ssub.s32 $0x0, s21;
	[sflag:s23] =	ssyncset.done $0x0  }
0x18: {  	[sflag:s23] =	ssyncadd.s32 s4;
	_ =	sdelay $0x1  }
0x19: {  	s24 =	simm.s32 $0x1B8B  }
0x1a: {  	_ =	swait.ge [sflag:s24], $0x1  }
0x1b: {  	[sflag:s24] =	ssyncset.done $0x0  }
0x1c: {  	s26 =	simm.s32 $0x1B8E;
	s25 =	sld [smem:$0x3FFE];
	[sflag:s24] =	ssyncadd.s32 $0xFFFFFFFF  }
0x1d: {  	s27 =	simm.s32 $execute0_lowered;
	[smem:$0x3FD2] =	sst s26  }
0x1e: {  	s5 =	sshll.u32 s27, $0x1;
	_ =	strace $0x8000004C;
	[dreg:$0x1] =	wrdreg $0xFFFFFFFF  }
0x1f: {  	s28 =	simm.s32 $_size_execute0_lowered;
	s3 =	sadd.s32 s3, s5;
	[dreg:$0x0] =	wrdreg $0x0  }
0x20: {  	s5 =	sshll.u32 s28, $0x1;
	[dreg:$0x2] =	wrdreg s3  }
0x21: {  	[dreg:$0x3] =	wrdreg s5  }
0x22: {  	[dreg:$0x4] =	wrdreg $0xC0  }
0x23: {  	_ =	task [dreg:s7], $0x5FFFF  }
0x24: {  	[dreg:$0x1] =	wrdreg $0xFFFFFFFF  }
0x25: {  	[dreg:$0x0] =	wrdreg $0x60  }
0x26: {  	[dreg:$0x2] =	wrdreg s25  }
0x27: {  	[dreg:$0x3] =	wrdreg s2  }
0x28: {  	[dreg:$0x4] =	wrdreg $0x9  }
0x29: {  	_ =	task.clear_ibuf [dreg:s7], $0x5FFFF;
	_ =	strace $0x9000004C  }
0x2a: {  	s29 =	simm.s32 $0x9;
	_ =	strace $0x8000004E  }
0x2b: {  	_ =	swait.ge [sflag:s29], $0x1  }
0x2c: {  	[sflag:s29] =	ssyncadd.s32 $0xFFFFFFFF  }
0x2d: {  	_ =	strace $0x9000004E  }
0x2e: {  	_ =	sfence  }
0x2f: {  	s30 =	sld [smem:$0x0];
	_ =	sdelay $0x2  }
0x30: {  	s31 =	sshll.u32 s1, $0xD;
	s1 =	sshrl.u32 s1, $0x2  }
0x31: {  	s3 =	sand.u32 $0x4000, s31;
	s1 =	sadd.s32 s1, s30  }
0x32: {  	s0 =	sor.u32 s3, s0;
	s1 =	sshll.u32 s1, $0x11  }
0x33: {  	s0 =	sor.u32 s1, s0  }
0x34: {  	s0 =	sadd.s32 $0x8F2B, s0  }
0x35: {  	[sflag:s0] =	ssyncadd.remote.s32 $0x1  }
0x36: {  	_ =	sfence.sel $0xFFFF  }
0x37: {  	[dreg:$0x0] =	wrdreg $0xFFFFFFFF;
	(pc) =	sbr.abs _section_cstart, $3  }
0x38: {  	[dreg:$0x1] =	wrdreg $0xFFFFFFFF  }
0x39: {  	_ =	task.clear_ibuf [dreg:s7], $0x2FFFF;
	_ =	strace $0x9FFFFFFF  }
0x3a: {  	(tm) =	ssettm $0x7FFFFFFF  }
0x3b: {  	_ =	shalt  }
tec
execute0_lowered:
.L_overlay_start_1:
0x0: {  	(tag) =	ssettag $0x1  }
0x1: {  	s0 =	srdreg.scid  }
0x2: {  	s5 =	stileid.u32;
	s0 =	sshll.u32 s0, $0x4  }
0x3: {  	s3 =	rddreg [dreg:$0x0];
	_ =	strace $0x8000004D;
	s0 =	sand.u32 $0x10, s0  }
0x4: {  	s6 =	simm.s32 $0x1;
	s8 =	simm.s32 $0x2;
	s0 =	sor.u32 s5, s0  }
0x5: {  	s19 =	simm.s32 $0x0;
	s10 =	simm.s32 $0x400;
	s1 =	sshll.u32 s0, $0x4  }
0x6: {  	s11 =	simm.s32 $0x1000;
	s12 =	simm.s32 $0x0;
	s2 =	sand.u32 $0x180, s1  }
0x7: {  	s18 =	simm.s32 $0x0;
	s20 =	simm.s32 $0x0;
	s1 =	ssub.s32 $0x200, s2  }
0x8: {  	s13 =	simm.s32 $0x0;
	s14 =	simm.s32 $0x0;
	s4 =	sand.u32 $0x180, s1  }
0x9: {  	s15 =	simm.s32 $0x0;
	s17 =	simm.s32 $0x0;
	p0 =	sne.s32 s4, $0x0  }
.Ltmp0:
0xa: {  	s1 =	sshrl.u32 s1, $0x9;
	s6 =	simm.s32 @!p0 $0x0;
	(pc) =	sbr.rel .LBB1_1-.Ltmp0, $4  }
0xb: {  	s31 =	sshll.u32 s5, $0x7;
	s5 =	simm.s32 $0x1;
	s1 =	sadd.s32 s6, s1  }
0xc: {  	s7 =	sand.u32 $0x380, s31;
	[sflag:s5] =	ssyncpa.u1 $0x0;
	s6 =	smul.u32 $0x4D, s1  }
0xd: {  	s16 =	smov.u32 s7;
	s0 =	sshll.u32 s0, $0x7;
	[sflag:s8] =	ssyncpa.u1 $0x0  }
0xe: {  	s8 =	sand.u32 $0xC00, s0;
	s4 =	sadd.s32 $0x1000, s3;
	s9 =	sadd.s32 $0x1, s6  }
.LBB1_9:
0xf: {  	s0 =	sshll.u32 s14, $0x9  }
0x10: {  	s1 =	sshll.u32 s20, $0x3;
	s3 =	sshll.u32 s14, $0x7;
	s0 =	sand.u32 $0xFFFFF000, s0  }
0x11: {  	s24 =	sand.u32 $0x200, s3;
	s0 =	sor.u32 s0, s1  }
0x12: {  	s0 =	sor.u32 s24, s0  }
0x13: {  	p0 =	sgt.s32 s13, $0x4C;
	s1 =	smov.u32 s13;
	s0 =	sshrl.u32 s0, $0x9  }
0x14: {  	s1 =	simm.s32 @!p0 $0x4C;
	s25 =	smulhi.u32 $0x83126F, s0  }
0x15: {  	s27 =	smul.u32 $0xFA00, s13;
	s28 =	sshll.u32 s14, $0x4;
	s1 =	sadd.s32 s21, s1  }
0x16: {  	s30 =	rddreg [dreg:$0x1];
	s26 =	sadd.s32 $0xFFFFFFB4, s1;
	s3 =	sshrl.u32 s25, $0x1  }
0x17: {  	s1 =	ssub.s32 $0x4D, s1;
	p0 =	sgt.s32 s26, $0x0;
	s3 =	smul.u32 $0x3E8, s3  }
0x18: {  	s29 =	sshll.u32 s17, $0xE;
	s20 =	sadd.s32 s30, s27;
	s1 =	simm.s32 @p0 $0x0  }
0x19: {  	s1 =	smul.u32 s1, s22;
	s0 =	ssub.s32 s0, s3;
	s3 =	sand.u32 $0x30, s28  }
0x1a: {  	s21 =	sand.u32 $0x4000, s29;
	s0 =	sshll.u32 s0, $0x6;
	s3 =	sadd.s32 s3, s20  }
0x1b: {  	s31 =	sor.u32 $0x8000, s21;
	s1 =	sand.u32 $0x3FFFFF80, s1;
	s0 =	sadd.s32 s0, s3  }
0x1c: {  	[hbm4b:s0+s10] =	stream.strided.scatter [tilespmem:s31], [sflag:$0x2], s1, s11, s10, $0x38;
	[tilespmem:$0x10000] =	vst v63  }
.LBB1_10:
0x1d: {  	p0 =	slt.u32 s17, $0x2  }
0x1e: {  	p1 =	sgt.s32 @!p0 s19, $0x4C  }
0x1f: {  	s0 =	smov.u32 s19;
	s3 =	smov.u32 s18;
	p1 =	por !p1, p0  }
0x20: {  	s1 =	sshra.s32 @!p0 s19, $0x1F;
	s0 =	simm.s32 @p1 $0x4C;
	p1 =	sgt.s32 @!p0 s18, $0x368  }
0x21: {  	s1 =	sand.u32 @!p0 s1, s19;
	s19 =	sshra.s32 @!p0 s18, $0x1F;
	p1 =	por !p1, p0  }
0x22: {  	s0 =	ssub.s32 @!p0 s0, s1;
	s1 =	sand.u32 @!p0 s19, s18;
	s3 =	simm.s32 @p1 $0x368  }
0x23: {  	s1 =	ssub.s32 @!p0 s3, s1  }
0x24: {  	s18 =	sadd.s32 @!p0 $0xFFFFFFB4, s0;
	s0 =	ssub.s32 @!p0 $0x4D, s0;
	s1 =	sadd.s32 @!p0 $0xFFFFFC98, s1  }
0x25: {  	p1 =	sgt.s32 @!p0 s18, $0x0;
	p2 =	sgt.s32 @!p0 s1, $0x7F;
	s1 =	sshll.u32 @!p0 s1, $0x7  }
0x26: {  	p1 =	por !p1, p0;
	s1 =	ssub.s32 @!p0 $0x4000, s1;
	p2 =	por !p2, p0  }
0x27: {  	s0 =	simm.s32 @!p1 $0x0;
	s1 =	simm.s32 @!p2 $0x0  }
0x28: {  	s0 =	smul.u32 @!p0 s0, s1;
	s1 =	sadd.s32 $0x1, s15  }
0x29: {  	s21 =	smov.u32 s16;
	s18 =	sadd.s32 $0x400, s16;
	p1 =	sgt.s32 s1, $0x4C  }
0x2a: {  	s21 =	smov.u32 @p1 s18  }
0x2b: {  	s1 =	simm.s32 @p1 $0x0;
	p1 =	sgt.s32 s21, $0x3E7  }
0x2c: {  	s12 =	sadd.s32 $0x4000, s12;
	s21 =	smov.u32 @p1 s7;
	p1 =	sne.s32 s17, s9  }
.Ltmp1:
0x2d: {  	s20 =	smov.u32 s2;
	s19 =	smov.u32 s13;
	(pc) =	sbr.rel @!p1 .LBB1_11-.Ltmp1, $4  }
0x2e: {  	s13 =	smov.u32 s15;
	s3 =	simm.s32 @!p0 $0x2;
	s0 =	sand.u32 @!p0 $0x3FFFFF80, s0  }
0x2f: {  	s18 =	smov.u32 s14;
	s14 =	smov.u32 s16;
	_ =	swait.ge @!p0 [sflag:s3], s0  }
0x30: {  	s0 =	ssub.s32 @!p0 $0x0, s0;
	s15 =	smov.u32 s1;
	[sflag:s3] =	ssyncset.done @!p0 $0x0  }
0x31: {  	s17 =	sadd.s32 $0x1, s17;
	[sflag:s3] =	ssyncadd.s32 @!p0 s0;
	s16 =	smov.u32 s21  }
.LBB1_1:
0x32: {  	p0 =	sge.u32 s17, s6;
	s21 =	smov.u32 s16;
	s31 =	sadd.s32 $0xFFFFFFFF, s17  }
0x33: {  	s0 =	sshll.u32 @!p0 s15, $0x9;
	s1 =	sshll.u32 @!p0 s15, $0x7;
	p1 =	sgt.s32 @!p0 s16, $0x368  }
0x34: {  	p2 =	sgt.s32 @!p0 s15, $0x4F;
	s3 =	sshra.s32 @!p0 s15, $0x1F;
	s22 =	sshra.s32 @!p0 s16, $0x1F  }
0x35: {  	s0 =	sand.u32 @!p0 $0xFFFFF000, s0;
	s1 =	sand.u32 @!p0 $0x200, s1;
	p1 =	por !p1, p0  }
0x36: {  	p2 =	por !p2, p0;
	s22 =	sand.u32 @!p0 s22, s16;
	s0 =	sor.u32 @!p0 s8, s0  }
0x37: {  	s21 =	simm.s32 @p1 $0x368;
	s0 =	sor.u32 @!p0 s1, s0;
	s1 =	smov.u32 s15  }
0x38: {  	s3 =	sand.u32 @!p0 s3, s15;
	s21 =	ssub.s32 @!p0 s21, s22;
	s1 =	simm.s32 @p2 $0x4F  }
0x39: {  	s0 =	sshrl.u32 @!p0 s0, $0x9;
	s21 =	sadd.s32 @!p0 $0xFFFFFC98, s21;
	s1 =	ssub.s32 @!p0 s1, s3  }
0x3a: {  	s3 =	smulhi.u32 @!p0 $0x3333334, s0;
	p2 =	sgt.s32 @!p0 s21, $0x7F;
	s22 =	sadd.s32 @!p0 $0xFFFFFFB1, s1  }
0x3b: {  	s21 =	sshll.u32 @!p0 s21, $0x7;
	s1 =	ssub.s32 @!p0 $0x50, s1;
	p1 =	sgt.s32 @!p0 s22, $0x0  }
0x3c: {  	s21 =	ssub.s32 @!p0 $0x4000, s21;
	s3 =	smul.u32 @!p0 $0x50, s3;
	p1 =	por !p1, p0  }
0x3d: {  	s22 =	sxor.u32 @!p0 $0xFFFFFFFF, s17;
	s1 =	simm.s32 @!p1 $0x0;
	p1 =	por !p2, p0  }
0x3e: {  	s0 =	ssub.s32 @!p0 s0, s3;
	s3 =	smul.u32 @!p0 $0x1400, s16;
	s21 =	simm.s32 @!p1 $0x0  }
0x3f: {  	s22 =	sshll.u32 @!p0 s22, $0xE;
	s1 =	smul.u32 @!p0 s1, s21;
	s21 =	sshll.u32 @!p0 s15, $0x4  }
0x40: {  	s22 =	sand.u32 @!p0 $0x4000, s22;
	s3 =	sadd.s32 @!p0 s4, s3;
	s21 =	sand.u32 @!p0 $0x30, s21  }
0x41: {  	s0 =	sshll.u32 @!p0 s0, $0x6;
	s1 =	sand.u32 @!p0 $0x3FFFFF80, s1;
	s3 =	sadd.s32 @!p0 s21, s3  }
0x42: {  	s21 =	simm.s32 @!p0 $0xA000;
	s0 =	sadd.s32 @!p0 s0, s3;
	s3 =	simm.s32 @!p0 $0x80  }
0x43: {  	[tilespmem:s22], [sflag:$0x1] =	stream.strided.gather @!p0 [hbm4b:s0+s3], s1, s21, s3, $0x38;
	[tilespmem:$0x10000] =	vst v63  }
0x44: {  	p0 =	sge.u32 s31, s6  }
.Ltmp2:
0x45: {  	_ = 	snop;
	(pc) =	sbr.rel @p0 .LBB1_10-.Ltmp2, $1  }
0x46: {  	_ =	sdelay $0x3  }
0x47: {  	p0 =	sgt.s32 s14, $0x368;
	s0 =	smov.u32 s14;
	s1 =	sshra.s32 s14, $0x1F  }
0x48: {  	s3 =	ssub.s32 $0x0, s13;
	s0 =	simm.s32 @!p0 $0x368;
	s1 =	sand.u32 s1, s14  }
0x49: {  	s21 =	sshra.s32 s13, $0x1F;
	s22 =	smov.u32 s13;
	s0 =	ssub.s32 s0, s1  }
0x4a: {  	p0 =	sgt.s32 s13, $0x4F;
	s21 =	sand.u32 s3, s21;
	s0 =	sadd.s32 $0xFFFFFC98, s0  }
0x4b: {  	s22 =	simm.s32 @!p0 $0x4F;
	p0 =	sgt.s32 s0, $0x7F;
	s0 =	sshll.u32 s0, $0x7  }
0x4c: {  	s29 =	sadd.s32 s21, s22;
	s22 =	ssub.s32 $0x4000, s0;
	s0 =	sadd.s32 $0x80, s14  }
0x4d: {  	s3 =	sadd.s32 $0x1, s13;
	s22 =	simm.s32 @p0 $0x0;
	p0 =	slt.s32 s0, $0x3E8  }
0x4e: {  	s30 =	sadd.s32 $0xFFFFFFB1, s29;
	s0 =	simm.s32 @!p0 $0x3E8;
	p0 =	slt.s32 s3, $0x4D  }
0x4f: {  	s1 =	ssub.s32 $0x50, s29;
	s23 =	ssub.s32 s0, s14;
	s3 =	simm.s32 @!p0 $0x4D  }
0x50: {  	p1 =	sgt.s32 s30, $0x0;
	s24 =	ssub.s32 s3, s13;
	p0 =	slt.s32 s23, $0x1  }
0x51: {  	s1 =	simm.s32 @p1 $0x0;
	p1 =	slt.s32 @!p0 s24, $0x1  }
0x52: {  	s1 =	smul.u32 s1, s22;
	p0 =	por p0, p1  }
.Ltmp3:
0x53: {  	_ = 	snop;
	(pc) =	sbr.rel @p0 .LBB1_9-.Ltmp3, $4  }
0x54: {  	s31 =	sand.u32 $0x3FFFFF80, s1  }
0x55: {  	_ =	swait.ge [sflag:s5], s31  }
0x56: {  	s0 =	ssub.s32 $0x0, s31;
	[sflag:s5] =	ssyncset.done $0x0  }
0x57: {  	[sflag:s5] =	ssyncadd.s32 s0  }
0x58: {  	s0 =	sshll.u32 s12, $0x2  }
0x59: {  	s0 =	sand.u32 $0x10000, s0  }
0x5a: {  	s25 =	sshrl.u32 s0, $0x2  }
0x5b: {  	s27 =	simm.s32 $0x0;
	s28 =	simm.s32 $0x0;
	s26 =	sor.u32 $0x8000, s25  }
.LBB1_4:
0x5c: {  	s0 =	sand.u32 $0x3F80, s27  }
0x5d: {  	s30 =	simm.s32 $0x0;
	s31 =	simm.s32 $0x0;
	s3 =	sadd.s32 s0, s26  }
.LBB1_5:
0x5e: {  	s0 =	sand.u32 $0x7, s30  }
0x5f: {  	s0 =	sadd.s32 s0, s28  }
0x60: {  	s0 =	sshll.u32 s0, $0x9  }
0x61: {  	s0 =	sshra.s32 s0, $0x2  }
0x62: {  	s29 =	smov.u32 s3;
	s1 =	sadd.s32 s0, s25;
	s0 =	simm.s32 $0xFFFFFFF0  }
.LBB1_6:
0x63: {  	s0 =	sadd.s32 $0x10, s0  }
0x64: {  	v0 =	vld [tilespmem:s1+$0x0];
	p0 =	slt.u32 s0, $0x70  }
.Ltmp4:
0x65: {  	_ = 	snop;
	(pc) =	sbr.rel @p0 .LBB1_6-.Ltmp4, $2  }
0x66: {  	_ =	sdelay $0x2  }
0x67: {  	s1 =	sadd.s32 $0x10, s1;
	[tilespmem:s29+$0x0] =	vst v0;
	s29 =	sadd.s32 $0x10, s29  }
0x68: {  	s31 =	sadd.s32 $0x1, s31  }
0x69: {  	p0 =	sne.s32 s31, s24  }
.Ltmp5:
0x6a: {  	_ = 	snop;
	(pc) =	sbr.rel @p0 .LBB1_5-.Ltmp5, $2  }
0x6b: {  	_ =	sdelay $0x2  }
0x6c: {  	s3 =	sadd.s32 $0x4000, s3;
	s30 =	sadd.s32 $0x1, s30  }
0x6d: {  	s28 =	sadd.s32 $0x1, s28  }
0x6e: {  	p0 =	sne.s32 s28, s23  }
.Ltmp6:
0x6f: {  	_ = 	snop;
	(pc) =	sbr.rel @p0 .LBB1_4-.Ltmp6, $4  }
.Ltmp7:
0x70: {  	_ = 	snop;
	(pc) =	sbr.rel @!p0 .LBB1_9-.Ltmp7, $4  }
0x71: {  	_ = 	snop  }
0x72: {  	_ = 	snop  }
0x73: {  	s27 =	sadd.s32 $0x80, s27  }
0x74: {  	_ = 	snop  }
.LBB1_11:
0x75: {  	_ =	sfence.sel $0x180000  }
0x76: {  	s0 =	simm.s32 $0x1;
	[bflag:$0x0] =	sbarrier.arrive $0xFFFF  }
0x77: {  	s30 =	simm.s32 $0x2;
	[sflag:s0] =	ssyncpa.u1 $0x1  }
0x78: {  	[sflag:s30] =	ssyncpa.u1 $0x1  }
0x79: {  	_ =	strace $0x9000004D  }
0x7a: {  	s31 =	stileid.u32;
	[bflag:$0x2] =	sbarrier.arrive $0xFFFF  }
0x7b: {  	p0 =	sne.s32 s31, $0x0;
	s0 =	rddreg [dreg:$0x2]  }
0x7c: {  	s0 =	sadd.s32 @!p0 $0x100000, s0  }
0x7d: {  	[sflag:s0] =	ssyncadd.tile.s32 @!p0 $0x1;
	_ =	shalt  }
.Lfunc_end1:
_tile_overlayer_lowered:
.L_overlay_start_2:
0x7e: {  	(tag) =	ssettag $0x2  }
0x7f: {  	s0 =	rddreg [dreg:$0x0];
	s2 =	stileid.u32  }
0x80: {  	s1 =	rddreg [dreg:$0x1];
	p0 =	sne.s32 s2, $0x0  }
0x81: {  	s3 =	rddreg [dreg:$0x2];
	[bflag:$0x3] =	sbarrier.arrive $0xFFFF;
	s2 =	simm.s32 @!p0 $0x1C01  }
0x82: {  	[timem:s3], [sflag:s2] =	dma.local @!p0 [hbm:s0], s1  }
0x83: {  	s0 =	simm.s32 @!p0 $0x1  }
0x84: {  	_ =	swait.ge @!p0 [sflag:s0], s1  }
0x85: {  	s1 =	ssub.s32 @!p0 $0x0, s1;
	[sflag:s0] =	ssyncset.done @!p0 $0x0  }
0x86: {  	[sflag:s0] =	ssyncadd.s32 @!p0 s1  }
0x87: {  	[bflag:$0x3] =	sbarrier.arrive $0xFFFF  }
0x88: {  	_ =	shalt  }

</sc_bundles>
